<compile_context>
chip_gen: v7x
topology: tpu7x:2x2x1
jax: 0.10.2.dev20260603
libtpu: 0.0.44.dev20260713+nightly
codegen_flags: <defaults>
</compile_context>

<pallas_src>
import functools

import jax
import jax.numpy as jnp
from jax import lax
from jax.experimental import pallas as pl
from jax.experimental.pallas import tpu as pltpu
from jax.experimental.pallas import tpu_sc as plsc

B = 16384
C = 1000
CB = 2048
NBLK = B // CB
NC = 2
NS = 16
L = 16
NW = NC * NS
RPW = B // NW


def _rowmax_tgt_kernel(mut_ref, tc_ref, mx_ref, tg_ref):
    x = mut_ref[...]
    tc = tc_ref[...]
    cls = lax.broadcasted_iota(jnp.int32, (C, CB), 0)
    mx_ref[...] = jnp.max(x, axis=0)
    tg_ref[...] = jnp.max(jnp.where(cls == tc[None, :], x, float("-inf")), axis=0)


_rowmax_tgt = pl.pallas_call(
    _rowmax_tgt_kernel,
    grid=(NBLK,),
    in_specs=[
        pl.BlockSpec((C, CB), lambda i: (0, i)),
        pl.BlockSpec((CB,), lambda i: (i,)),
    ],
    out_specs=[
        pl.BlockSpec((CB,), lambda i: (i,)),
        pl.BlockSpec((CB,), lambda i: (i,)),
    ],
    out_shape=[
        jax.ShapeDtypeStruct((B,), jnp.float32),
        jax.ShapeDtypeStruct((B,), jnp.float32),
    ],
)

_mesh = plsc.VectorSubcoreMesh(
    core_axis_name="c", subcore_axis_name="s", num_cores=NC, num_subcores=NS
)


@functools.partial(
    pl.kernel,
    out_type=jax.ShapeDtypeStruct((B,), jnp.float32),
    mesh=_mesh,
    compiler_params=pltpu.CompilerParams(
        use_tc_tiling_on_sc=False, needs_layout_passes=False
    ),
    scratch_types=[
        pltpu.VMEM((RPW,), jnp.float32),
        pltpu.VMEM((RPW,), jnp.float32),
        pltpu.VMEM((RPW,), jnp.float32),
    ],
)
def _combine_sc(mx_hbm, tg_hbm, out_hbm, mx_v, tg_v, out_v):
    wid = lax.axis_index("s") * NC + lax.axis_index("c")
    base = wid * RPW

    pltpu.sync_copy(mx_hbm.at[pl.ds(base, RPW)], mx_v)
    pltpu.sync_copy(tg_hbm.at[pl.ds(base, RPW)], tg_v)

    for i in range(RPW // L):
        mx = mx_v[pl.ds(i * L, L)]
        tg = tg_v[pl.ds(i * L, L)]
        integral = jnp.clip(mx, 0.0, 1.0)
        out_v[pl.ds(i * L, L)] = integral * (tg / (mx + jnp.float32(1e-8)))

    pltpu.sync_copy(out_v, out_hbm.at[pl.ds(base, RPW)])


def kernel(mu, target_class, log_lambda):
    del log_lambda
    tc = target_class.astype(jnp.int32)
    mx, tg = _rowmax_tgt(mu.T, tc)
    return _combine_sc(mx, tg)

# --- scband reference (transcript-rebuilt; emitter-appended) ---
"""Pipeline reference for scband-sugeno-fuzzy-integral-90941637525597 (READ-ONLY COPY).

The authoritative reference and input builder live on the scoring server;
editing this copy changes nothing except your own understanding.
"""

import jax, jax.numpy as jnp
import numpy as np

B = 16384
C = 1000

def setup_inputs(seed: int = 0) -> dict:
    key = jax.random.key(seed)
    k1, k2 = jax.random.split(key)
    mu = jax.random.uniform(k1, (B, C), dtype=jnp.float32)
    target_class = jax.random.randint(k2, (B,), 0, C, dtype=jnp.int64)
    log_lambda = jnp.array(0.0, dtype=jnp.float32)
    return {"mu": mu, "target_class": target_class, "log_lambda": log_lambda}

def _lambda_measure(singletons, lam):
    # singletons: [B, C] sorted-descending membership values (clamped to [0,1])
    # recurrence: g_i = g_{i-1} + s_i + lam * g_{i-1} * s_i, collected per step
    def step(g, s):
        g_new = g + s + lam * g * s
        return g_new, g_new
    g0 = jnp.zeros((singletons.shape[0],), dtype=singletons.dtype)
    _, gs = jax.lax.scan(step, g0, jnp.transpose(singletons))  # gs: [C, B]
    return jnp.transpose(gs)  # [B, C]

def reference(mu, target_class, log_lambda):
    lam = jnp.tanh(log_lambda) * 9.99
    Bn, Cn = mu.shape
    target_mu = mu[jnp.arange(Bn), target_class]  # [B]
    sorted_mu = -jnp.sort(-mu, axis=1)  # descending sort
    singletons = jnp.clip(sorted_mu, 0.0, 1.0)
    g = _lambda_measure(singletons, lam)
    min_vals = jnp.minimum(singletons, g)
    integral = jnp.max(min_vals, axis=1)
    return integral * (target_mu / (jnp.max(mu, axis=1) + 1e-08))

if __name__ == "__main__":
    import jax
    _d = setup_inputs()
    print(jax.jit(kernel)(*tuple(_d.values())))

</pallas_src>

<mosaic_0001>
#map = affine_map<(d0, d1) -> (0)>
module attributes {stable_mosaic.version = 14 : i64} {
  func.func @_combine_sc(%arg0: i32, %arg1: i32, %arg2: memref<16384xf32, #tpu.memory_space<hbm>>, %arg3: memref<16384xf32, #tpu.memory_space<hbm>>, %arg4: memref<16384xf32, #tpu.memory_space<hbm>>, %arg5: memref<512xf32, #tpu.memory_space<vmem>>, %arg6: memref<512xf32, #tpu.memory_space<vmem>>, %arg7: memref<512xf32, #tpu.memory_space<vmem>>) attributes {dimension_semantics = [#tpu.dimension_semantics<core_parallel>, #tpu.dimension_semantics<subcore_parallel>], iteration_bounds = array<i64: 2, 16>, scalar_prefetch = 0 : i64, scratch_operands = 3 : i64, tpu.core_type = #tpu.core_type<sc_vector_subcore>, window_params = [{transform_indices = #map}, {transform_indices = #map}, {transform_indices = #map}]} {
    %mul3A = arith.constant 2 : i32
    %mul3A_0 = arith.muli %arg1, %mul3A : i32
    %add3A = arith.addi %mul3A_0, %arg0 : i32
    %mul3A_1 = arith.constant 512 : i32
    %mul3A_2 = arith.muli %add3A, %mul3A_1 : i32
    "tpu.region"() ({
      %run_scoped3A = tpu.sem_alloc : memref<!tpu.dma_semaphore, #tpu.memory_space<semaphore_mem>>
      %dma_start3A = tpu.memref_slice %arg2[%mul3A_2] : memref<16384xf32, #tpu.memory_space<hbm>> -> memref<512xf32, #tpu.memory_space<hbm>>
      %dma_start3A_541 = tpu.memref_slice %arg2[%mul3A_2] : memref<16384xf32, #tpu.memory_space<hbm>> -> memref<512xf32, #tpu.memory_space<hbm>>
      tpu.enqueue_dma source(%dma_start3A_541 : memref<512xf32, #tpu.memory_space<hbm>>) target(%arg5 : memref<512xf32, #tpu.memory_space<vmem>>) target_semaphore(%run_scoped3A : memref<!tpu.dma_semaphore, #tpu.memory_space<semaphore_mem>>)
      %dma_wait3A = tpu.memref_slice %arg2[%mul3A_2] : memref<16384xf32, #tpu.memory_space<hbm>> -> memref<512xf32, #tpu.memory_space<hbm>>
      %dma_wait3A_542 = tpu.memref_slice %arg2[%mul3A_2] : memref<16384xf32, #tpu.memory_space<hbm>> -> memref<512xf32, #tpu.memory_space<hbm>>
      tpu.wait_dma2 semaphore(%run_scoped3A : memref<!tpu.dma_semaphore, #tpu.memory_space<semaphore_mem>>) src(%dma_wait3A_542 : memref<512xf32, #tpu.memory_space<hbm>>) dst(%arg5 : memref<512xf32, #tpu.memory_space<vmem>>)
      tpu.yield
    }) : () -> ()
    "tpu.region"() ({
      %run_scoped3A = tpu.sem_alloc : memref<!tpu.dma_semaphore, #tpu.memory_space<semaphore_mem>>
      %dma_start3A = tpu.memref_slice %arg3[%mul3A_2] : memref<16384xf32, #tpu.memory_space<hbm>> -> memref<512xf32, #tpu.memory_space<hbm>>
      %dma_start3A_541 = tpu.memref_slice %arg3[%mul3A_2] : memref<16384xf32, #tpu.memory_space<hbm>> -> memref<512xf32, #tpu.memory_space<hbm>>
      tpu.enqueue_dma source(%dma_start3A_541 : memref<512xf32, #tpu.memory_space<hbm>>) target(%arg6 : memref<512xf32, #tpu.memory_space<vmem>>) target_semaphore(%run_scoped3A : memref<!tpu.dma_semaphore, #tpu.memory_space<semaphore_mem>>)
      %dma_wait3A = tpu.memref_slice %arg3[%mul3A_2] : memref<16384xf32, #tpu.memory_space<hbm>> -> memref<512xf32, #tpu.memory_space<hbm>>
      %dma_wait3A_542 = tpu.memref_slice %arg3[%mul3A_2] : memref<16384xf32, #tpu.memory_space<hbm>> -> memref<512xf32, #tpu.memory_space<hbm>>
      tpu.wait_dma2 semaphore(%run_scoped3A : memref<!tpu.dma_semaphore, #tpu.memory_space<semaphore_mem>>) src(%dma_wait3A_542 : memref<512xf32, #tpu.memory_space<hbm>>) dst(%arg6 : memref<512xf32, #tpu.memory_space<vmem>>)
      tpu.yield
    }) : () -> ()
    %get3A = arith.constant 0 : index
    %get3A_3 = tpu.vector_load %arg5[%get3A] {strides = array<i32>} : memref<512xf32, #tpu.memory_space<vmem>>, vector<16xf32>,
    %get3A_4 = arith.constant 0 : index
    %get3A_5 = tpu.vector_load %arg6[%get3A_4] {strides = array<i32>} : memref<512xf32, #tpu.memory_space<vmem>>, vector<16xf32>,
    %jit3A = arith.constant 0.000000e+00 : f32
    %jit3A_6 = arith.constant 1.000000e+00 : f32
    %max3A = vector.broadcast %jit3A : f32 to vector<16xf32>
    %max3A_7 = arith.maximumf %max3A, %get3A_3 : vector<16xf32>
    %min3A = vector.broadcast %jit3A_6 : f32 to vector<16xf32>
    %min3A_8 = arith.minimumf %min3A, %max3A_7 : vector<16xf32>
    %add3A_9 = arith.constant 9.99999993E-9 : f32
    %add3A_10 = vector.broadcast %add3A_9 : f32 to vector<16xf32>
    %add3A_11 = arith.addf %get3A_3, %add3A_10 : vector<16xf32>
    %div3A = arith.divf %get3A_5, %add3A_11 : vector<16xf32>
    %mul3A_12 = arith.mulf %min3A_8, %div3A : vector<16xf32>
    %swap3A = arith.constant 0 : index
    %swap3A_13 = tpu.vector_load %arg7[%swap3A] {strides = array<i32>} : memref<512xf32, #tpu.memory_space<vmem>>, vector<16xf32>,
    tpu.vector_store %arg7[%swap3A], %mul3A_12 {strides = array<i32>} : memref<512xf32, #tpu.memory_space<vmem>>, vector<16xf32>,
    %get3A_14 = arith.constant 16 : index
    %get3A_15 = tpu.vector_load %arg5[%get3A_14] {strides = array<i32>} : memref<512xf32, #tpu.memory_space<vmem>>, vector<16xf32>,
    %get3A_16 = arith.constant 16 : index
    %get3A_17 = tpu.vector_load %arg6[%get3A_16] {strides = array<i32>} : memref<512xf32, #tpu.memory_space<vmem>>, vector<16xf32>,
    %jit3A_18 = arith.constant 0.000000e+00 : f32
    %jit3A_19 = arith.constant 1.000000e+00 : f32
    %max3A_20 = vector.broadcast %jit3A_18 : f32 to vector<16xf32>
    %max3A_21 = arith.maximumf %max3A_20, %get3A_15 : vector<16xf32>
    %min3A_22 = vector.broadcast %jit3A_19 : f32 to vector<16xf32>
    %min3A_23 = arith.minimumf %min3A_22, %max3A_21 : vector<16xf32>
    %add3A_24 = arith.constant 9.99999993E-9 : f32
    %add3A_25 = vector.broadcast %add3A_24 : f32 to vector<16xf32>
    %add3A_26 = arith.addf %get3A_15, %add3A_25 : vector<16xf32>
    %div3A_27 = arith.divf %get3A_17, %add3A_26 : vector<16xf32>
    %mul3A_28 = arith.mulf %min3A_23, %div3A_27 : vector<16xf32>
    %swap3A_29 = arith.constant 16 : index
    %swap3A_30 = tpu.vector_load %arg7[%swap3A_29] {strides = array<i32>} : memref<512xf32, #tpu.memory_space<vmem>>, vector<16xf32>,
    tpu.vector_store %arg7[%swap3A_29], %mul3A_28 {strides = array<i32>} : memref<512xf32, #tpu.memory_space<vmem>>, vector<16xf32>,
    %get3A_31 = arith.constant 32 : index
    %get3A_32 = tpu.vector_load %arg5[%get3A_31] {strides = array<i32>} : memref<512xf32, #tpu.memory_space<vmem>>, vector<16xf32>,
    %get3A_33 = arith.constant 32 : index
    %get3A_34 = tpu.vector_load %arg6[%get3A_33] {strides = array<i32>} : memref<512xf32, #tpu.memory_space<vmem>>, vector<16xf32>,
    %jit3A_35 = arith.constant 0.000000e+00 : f32
    %jit3A_36 = arith.constant 1.000000e+00 : f32
    %max3A_37 = vector.broadcast %jit3A_35 : f32 to vector<16xf32>
    %max3A_38 = arith.maximumf %max3A_37, %get3A_32 : vector<16xf32>
    %min3A_39 = vector.broadcast %jit3A_36 : f32 to vector<16xf32>
    %min3A_40 = arith.minimumf %min3A_39, %max3A_38 : vector<16xf32>
    %add3A_41 = arith.constant 9.99999993E-9 : f32
    %add3A_42 = vector.broadcast %add3A_41 : f32 to vector<16xf32>
    %add3A_43 = arith.addf %get3A_32, %add3A_42 : vector<16xf32>
    %div3A_44 = arith.divf %get3A_34, %add3A_43 : vector<16xf32>
    %mul3A_45 = arith.mulf %min3A_40, %div3A_44 : vector<16xf32>
    %swap3A_46 = arith.constant 32 : index
    %swap3A_47 = tpu.vector_load %arg7[%swap3A_46] {strides = array<i32>} : memref<512xf32, #tpu.memory_space<vmem>>, vector<16xf32>,
    tpu.vector_store %arg7[%swap3A_46], %mul3A_45 {strides = array<i32>} : memref<512xf32, #tpu.memory_space<vmem>>, vector<16xf32>,
    %get3A_48 = arith.constant 48 : index
    %get3A_49 = tpu.vector_load %arg5[%get3A_48] {strides = array<i32>} : memref<512xf32, #tpu.memory_space<vmem>>, vector<16xf32>,
    %get3A_50 = arith.constant 48 : index
    %get3A_51 = tpu.vector_load %arg6[%get3A_50] {strides = array<i32>} : memref<512xf32, #tpu.memory_space<vmem>>, vector<16xf32>,
    %jit3A_52 = arith.constant 0.000000e+00 : f32
    %jit3A_53 = arith.constant 1.000000e+00 : f32
    %max3A_54 = vector.broadcast %jit3A_52 : f32 to vector<16xf32>
    %max3A_55 = arith.maximumf %max3A_54, %get3A_49 : vector<16xf32>
    %min3A_56 = vector.broadcast %jit3A_53 : f32 to vector<16xf32>
    %min3A_57 = arith.minimumf %min3A_56, %max3A_55 : vector<16xf32>
    %add3A_58 = arith.constant 9.99999993E-9 : f32
    %add3A_59 = vector.broadcast %add3A_58 : f32 to vector<16xf32>
    %add3A_60 = arith.addf %get3A_49, %add3A_59 : vector<16xf32>
    %div3A_61 = arith.divf %get3A_51, %add3A_60 : vector<16xf32>
    %mul3A_62 = arith.mulf %min3A_57, %div3A_61 : vector<16xf32>
    %swap3A_63 = arith.constant 48 : index
    %swap3A_64 = tpu.vector_load %arg7[%swap3A_63] {strides = array<i32>} : memref<512xf32, #tpu.memory_space<vmem>>, vector<16xf32>,
    tpu.vector_store %arg7[%swap3A_63], %mul3A_62 {strides = array<i32>} : memref<512xf32, #tpu.memory_space<vmem>>, vector<16xf32>,
    %get3A_65 = arith.constant 64 : index
    %get3A_66 = tpu.vector_load %arg5[%get3A_65] {strides = array<i32>} : memref<512xf32, #tpu.memory_space<vmem>>, vector<16xf32>,
    %get3A_67 = arith.constant 64 : index
    %get3A_68 = tpu.vector_load %arg6[%get3A_67] {strides = array<i32>} : memref<512xf32, #tpu.memory_space<vmem>>, vector<16xf32>,
    %jit3A_69 = arith.constant 0.000000e+00 : f32
    %jit3A_70 = arith.constant 1.000000e+00 : f32
    %max3A_71 = vector.broadcast %jit3A_69 : f32 to vector<16xf32>
    %max3A_72 = arith.maximumf %max3A_71, %get3A_66 : vector<16xf32>
    %min3A_73 = vector.broadcast %jit3A_70 : f32 to vector<16xf32>
    %min3A_74 = arith.minimumf %min3A_73, %max3A_72 : vector<16xf32>
    %add3A_75 = arith.constant 9.99999993E-9 : f32
    %add3A_76 = vector.broadcast %add3A_75 : f32 to vector<16xf32>
    %add3A_77 = arith.addf %get3A_66, %add3A_76 : vector<16xf32>
    %div3A_78 = arith.divf %get3A_68, %add3A_77 : vector<16xf32>
    %mul3A_79 = arith.mulf %min3A_74, %div3A_78 : vector<16xf32>
    %swap3A_80 = arith.constant 64 : index
    %swap3A_81 = tpu.vector_load %arg7[%swap3A_80] {strides = array<i32>} : memref<512xf32, #tpu.memory_space<vmem>>, vector<16xf32>,
    tpu.vector_store %arg7[%swap3A_80], %mul3A_79 {strides = array<i32>} : memref<512xf32, #tpu.memory_space<vmem>>, vector<16xf32>,
    %get3A_82 = arith.constant 80 : index
    %get3A_83 = tpu.vector_load %arg5[%get3A_82] {strides = array<i32>} : memref<512xf32, #tpu.memory_space<vmem>>, vector<16xf32>,
    %get3A_84 = arith.constant 80 : index
    %get3A_85 = tpu.vector_load %arg6[%get3A_84] {strides = array<i32>} : memref<512xf32, #tpu.memory_space<vmem>>, vector<16xf32>,
    %jit3A_86 = arith.constant 0.000000e+00 : f32
    %jit3A_87 = arith.constant 1.000000e+00 : f32
    %max3A_88 = vector.broadcast %jit3A_86 : f32 to vector<16xf32>
    %max3A_89 = arith.maximumf %max3A_88, %get3A_83 : vector<16xf32>
    %min3A_90 = vector.broadcast %jit3A_87 : f32 to vector<16xf32>
    %min3A_91 = arith.minimumf %min3A_90, %max3A_89 : vector<16xf32>
    %add3A_92 = arith.constant 9.99999993E-9 : f32
    %add3A_93 = vector.broadcast %add3A_92 : f32 to vector<16xf32>
    %add3A_94 = arith.addf %get3A_83, %add3A_93 : vector<16xf32>
    %div3A_95 = arith.divf %get3A_85, %add3A_94 : vector<16xf32>
    %mul3A_96 = arith.mulf %min3A_91, %div3A_95 : vector<16xf32>
    %swap3A_97 = arith.constant 80 : index
    %swap3A_98 = tpu.vector_load %arg7[%swap3A_97] {strides = array<i32>} : memref<512xf32, #tpu.memory_space<vmem>>, vector<16xf32>,
    tpu.vector_store %arg7[%swap3A_97], %mul3A_96 {strides = array<i32>} : memref<512xf32, #tpu.memory_space<vmem>>, vector<16xf32>,
    %get3A_99 = arith.constant 96 : index
    %get3A_100 = tpu.vector_load %arg5[%get3A_99] {strides = array<i32>} : memref<512xf32, #tpu.memory_space<vmem>>, vector<16xf32>,
    %get3A_101 = arith.constant 96 : index
    %get3A_102 = tpu.vector_load %arg6[%get3A_101] {strides = array<i32>} : memref<512xf32, #tpu.memory_space<vmem>>, vector<16xf32>,
    %jit3A_103 = arith.constant 0.000000e+00 : f32
    %jit3A_104 = arith.constant 1.000000e+00 : f32
    %max3A_105 = vector.broadcast %jit3A_103 : f32 to vector<16xf32>
    %max3A_106 = arith.maximumf %max3A_105, %get3A_100 : vector<16xf32>
    %min3A_107 = vector.broadcast %jit3A_104 : f32 to vector<16xf32>
    %min3A_108 = arith.minimumf %min3A_107, %max3A_106 : vector<16xf32>
    %add3A_109 = arith.constant 9.99999993E-9 : f32
    %add3A_110 = vector.broadcast %add3A_109 : f32 to vector<16xf32>
    %add3A_111 = arith.addf %get3A_100, %add3A_110 : vector<16xf32>
    %div3A_112 = arith.divf %get3A_102, %add3A_111 : vector<16xf32>
    %mul3A_113 = arith.mulf %min3A_108, %div3A_112 : vector<16xf32>
    %swap3A_114 = arith.constant 96 : index
    %swap3A_115 = tpu.vector_load %arg7[%swap3A_114] {strides = array<i32>} : memref<512xf32, #tpu.memory_space<vmem>>, vector<16xf32>,
    tpu.vector_store %arg7[%swap3A_114], %mul3A_113 {strides = array<i32>} : memref<512xf32, #tpu.memory_space<vmem>>, vector<16xf32>,
    %get3A_116 = arith.constant 112 : index
    %get3A_117 = tpu.vector_load %arg5[%get3A_116] {strides = array<i32>} : memref<512xf32, #tpu.memory_space<vmem>>, vector<16xf32>,
    %get3A_118 = arith.constant 112 : index
    %get3A_119 = tpu.vector_load %arg6[%get3A_118] {strides = array<i32>} : memref<512xf32, #tpu.memory_space<vmem>>, vector<16xf32>,
    %jit3A_120 = arith.constant 0.000000e+00 : f32
    %jit3A_121 = arith.constant 1.000000e+00 : f32
    %max3A_122 = vector.broadcast %jit3A_120 : f32 to vector<16xf32>
    %max3A_123 = arith.maximumf %max3A_122, %get3A_117 : vector<16xf32>
    %min3A_124 = vector.broadcast %jit3A_121 : f32 to vector<16xf32>
    %min3A_125 = arith.minimumf %min3A_124, %max3A_123 : vector<16xf32>
    %add3A_126 = arith.constant 9.99999993E-9 : f32
    %add3A_127 = vector.broadcast %add3A_126 : f32 to vector<16xf32>
    %add3A_128 = arith.addf %get3A_117, %add3A_127 : vector<16xf32>
    %div3A_129 = arith.divf %get3A_119, %add3A_128 : vector<16xf32>
    %mul3A_130 = arith.mulf %min3A_125, %div3A_129 : vector<16xf32>
    %swap3A_131 = arith.constant 112 : index
    %swap3A_132 = tpu.vector_load %arg7[%swap3A_131] {strides = array<i32>} : memref<512xf32, #tpu.memory_space<vmem>>, vector<16xf32>,
    tpu.vector_store %arg7[%swap3A_131], %mul3A_130 {strides = array<i32>} : memref<512xf32, #tpu.memory_space<vmem>>, vector<16xf32>,
    %get3A_133 = arith.constant 128 : index
    %get3A_134 = tpu.vector_load %arg5[%get3A_133] {strides = array<i32>} : memref<512xf32, #tpu.memory_space<vmem>>, vector<16xf32>,
    %get3A_135 = arith.constant 128 : index
    %get3A_136 = tpu.vector_load %arg6[%get3A_135] {strides = array<i32>} : memref<512xf32, #tpu.memory_space<vmem>>, vector<16xf32>,
    %jit3A_137 = arith.constant 0.000000e+00 : f32
    %jit3A_138 = arith.constant 1.000000e+00 : f32
    %max3A_139 = vector.broadcast %jit3A_137 : f32 to vector<16xf32>
    %max3A_140 = arith.maximumf %max3A_139, %get3A_134 : vector<16xf32>
    %min3A_141 = vector.broadcast %jit3A_138 : f32 to vector<16xf32>
    %min3A_142 = arith.minimumf %min3A_141, %max3A_140 : vector<16xf32>
    %add3A_143 = arith.constant 9.99999993E-9 : f32
    %add3A_144 = vector.broadcast %add3A_143 : f32 to vector<16xf32>
    %add3A_145 = arith.addf %get3A_134, %add3A_144 : vector<16xf32>
    %div3A_146 = arith.divf %get3A_136, %add3A_145 : vector<16xf32>
    %mul3A_147 = arith.mulf %min3A_142, %div3A_146 : vector<16xf32>
    %swap3A_148 = arith.constant 128 : index
    %swap3A_149 = tpu.vector_load %arg7[%swap3A_148] {strides = array<i32>} : memref<512xf32, #tpu.memory_space<vmem>>, vector<16xf32>,
    tpu.vector_store %arg7[%swap3A_148], %mul3A_147 {strides = array<i32>} : memref<512xf32, #tpu.memory_space<vmem>>, vector<16xf32>,
    %get3A_150 = arith.constant 144 : index
    %get3A_151 = tpu.vector_load %arg5[%get3A_150] {strides = array<i32>} : memref<512xf32, #tpu.memory_space<vmem>>, vector<16xf32>,
    %get3A_152 = arith.constant 144 : index
    %get3A_153 = tpu.vector_load %arg6[%get3A_152] {strides = array<i32>} : memref<512xf32, #tpu.memory_space<vmem>>, vector<16xf32>,
    %jit3A_154 = arith.constant 0.000000e+00 : f32
    %jit3A_155 = arith.constant 1.000000e+00 : f32
    %max3A_156 = vector.broadcast %jit3A_154 : f32 to vector<16xf32>
    %max3A_157 = arith.maximumf %max3A_156, %get3A_151 : vector<16xf32>
    %min3A_158 = vector.broadcast %jit3A_155 : f32 to vector<16xf32>
    %min3A_159 = arith.minimumf %min3A_158, %max3A_157 : vector<16xf32>
    %add3A_160 = arith.constant 9.99999993E-9 : f32
    %add3A_161 = vector.broadcast %add3A_160 : f32 to vector<16xf32>
    %add3A_162 = arith.addf %get3A_151, %add3A_161 : vector<16xf32>
    %div3A_163 = arith.divf %get3A_153, %add3A_162 : vector<16xf32>
    %mul3A_164 = arith.mulf %min3A_159, %div3A_163 : vector<16xf32>
    %swap3A_165 = arith.constant 144 : index
    %swap3A_166 = tpu.vector_load %arg7[%swap3A_165] {strides = array<i32>} : memref<512xf32, #tpu.memory_space<vmem>>, vector<16xf32>,
    tpu.vector_store %arg7[%swap3A_165], %mul3A_164 {strides = array<i32>} : memref<512xf32, #tpu.memory_space<vmem>>, vector<16xf32>,
    %get3A_167 = arith.constant 160 : index
    %get3A_168 = tpu.vector_load %arg5[%get3A_167] {strides = array<i32>} : memref<512xf32, #tpu.memory_space<vmem>>, vector<16xf32>,
    %get3A_169 = arith.constant 160 : index
    %get3A_170 = tpu.vector_load %arg6[%get3A_169] {strides = array<i32>} : memref<512xf32, #tpu.memory_space<vmem>>, vector<16xf32>,
    %jit3A_171 = arith.constant 0.000000e+00 : f32
    %jit3A_172 = arith.constant 1.000000e+00 : f32
    %max3A_173 = vector.broadcast %jit3A_171 : f32 to vector<16xf32>
    %max3A_174 = arith.maximumf %max3A_173, %get3A_168 : vector<16xf32>
    %min3A_175 = vector.broadcast %jit3A_172 : f32 to vector<16xf32>
    %min3A_176 = arith.minimumf %min3A_175, %max3A_174 : vector<16xf32>
    %add3A_177 = arith.constant 9.99999993E-9 : f32
    %add3A_178 = vector.broadcast %add3A_177 : f32 to vector<16xf32>
    %add3A_179 = arith.addf %get3A_168, %add3A_178 : vector<16xf32>
    %div3A_180 = arith.divf %get3A_170, %add3A_179 : vector<16xf32>
    %mul3A_181 = arith.mulf %min3A_176, %div3A_180 : vector<16xf32>
    %swap3A_182 = arith.constant 160 : index
    %swap3A_183 = tpu.vector_load %arg7[%swap3A_182] {strides = array<i32>} : memref<512xf32, #tpu.memory_space<vmem>>, vector<16xf32>,
    tpu.vector_store %arg7[%swap3A_182], %mul3A_181 {strides = array<i32>} : memref<512xf32, #tpu.memory_space<vmem>>, vector<16xf32>,
    %get3A_184 = arith.constant 176 : index
    %get3A_185 = tpu.vector_load %arg5[%get3A_184] {strides = array<i32>} : memref<512xf32, #tpu.memory_space<vmem>>, vector<16xf32>,
    %get3A_186 = arith.constant 176 : index
    %get3A_187 = tpu.vector_load %arg6[%get3A_186] {strides = array<i32>} : memref<512xf32, #tpu.memory_space<vmem>>, vector<16xf32>,
    %jit3A_188 = arith.constant 0.000000e+00 : f32
    %jit3A_189 = arith.constant 1.000000e+00 : f32
    %max3A_190 = vector.broadcast %jit3A_188 : f32 to vector<16xf32>
    %max3A_191 = arith.maximumf %max3A_190, %get3A_185 : vector<16xf32>
    %min3A_192 = vector.broadcast %jit3A_189 : f32 to vector<16xf32>
    %min3A_193 = arith.minimumf %min3A_192, %max3A_191 : vector<16xf32>
    %add3A_194 = arith.constant 9.99999993E-9 : f32
    %add3A_195 = vector.broadcast %add3A_194 : f32 to vector<16xf32>
    %add3A_196 = arith.addf %get3A_185, %add3A_195 : vector<16xf32>
    %div3A_197 = arith.divf %get3A_187, %add3A_196 : vector<16xf32>
    %mul3A_198 = arith.mulf %min3A_193, %div3A_197 : vector<16xf32>
    %swap3A_199 = arith.constant 176 : index
    %swap3A_200 = tpu.vector_load %arg7[%swap3A_199] {strides = array<i32>} : memref<512xf32, #tpu.memory_space<vmem>>, vector<16xf32>,
    tpu.vector_store %arg7[%swap3A_199], %mul3A_198 {strides = array<i32>} : memref<512xf32, #tpu.memory_space<vmem>>, vector<16xf32>,
    %get3A_201 = arith.constant 192 : index
    %get3A_202 = tpu.vector_load %arg5[%get3A_201] {strides = array<i32>} : memref<512xf32, #tpu.memory_space<vmem>>, vector<16xf32>,
    %get3A_203 = arith.constant 192 : index
    %get3A_204 = tpu.vector_load %arg6[%get3A_203] {strides = array<i32>} : memref<512xf32, #tpu.memory_space<vmem>>, vector<16xf32>,
    %jit3A_205 = arith.constant 0.000000e+00 : f32
    %jit3A_206 = arith.constant 1.000000e+00 : f32
    %max3A_207 = vector.broadcast %jit3A_205 : f32 to vector<16xf32>
    %max3A_208 = arith.maximumf %max3A_207, %get3A_202 : vector<16xf32>
    %min3A_209 = vector.broadcast %jit3A_206 : f32 to vector<16xf32>
    %min3A_210 = arith.minimumf %min3A_209, %max3A_208 : vector<16xf32>
    %add3A_211 = arith.constant 9.99999993E-9 : f32
    %add3A_212 = vector.broadcast %add3A_211 : f32 to vector<16xf32>
    %add3A_213 = arith.addf %get3A_202, %add3A_212 : vector<16xf32>
    %div3A_214 = arith.divf %get3A_204, %add3A_213 : vector<16xf32>
    %mul3A_215 = arith.mulf %min3A_210, %div3A_214 : vector<16xf32>
    %swap3A_216 = arith.constant 192 : index
    %swap3A_217 = tpu.vector_load %arg7[%swap3A_216] {strides = array<i32>} : memref<512xf32, #tpu.memory_space<vmem>>, vector<16xf32>,
    tpu.vector_store %arg7[%swap3A_216], %mul3A_215 {strides = array<i32>} : memref<512xf32, #tpu.memory_space<vmem>>, vector<16xf32>,
    %get3A_218 = arith.constant 208 : index
    %get3A_219 = tpu.vector_load %arg5[%get3A_218] {strides = array<i32>} : memref<512xf32, #tpu.memory_space<vmem>>, vector<16xf32>,
    %get3A_220 = arith.constant 208 : index
    %get3A_221 = tpu.vector_load %arg6[%get3A_220] {strides = array<i32>} : memref<512xf32, #tpu.memory_space<vmem>>, vector<16xf32>,
    %jit3A_222 = arith.constant 0.000000e+00 : f32
    %jit3A_223 = arith.constant 1.000000e+00 : f32
    %max3A_224 = vector.broadcast %jit3A_222 : f32 to vector<16xf32>
    %max3A_225 = arith.maximumf %max3A_224, %get3A_219 : vector<16xf32>
    %min3A_226 = vector.broadcast %jit3A_223 : f32 to vector<16xf32>
    %min3A_227 = arith.minimumf %min3A_226, %max3A_225 : vector<16xf32>
    %add3A_228 = arith.constant 9.99999993E-9 : f32
    %add3A_229 = vector.broadcast %add3A_228 : f32 to vector<16xf32>
    %add3A_230 = arith.addf %get3A_219, %add3A_229 : vector<16xf32>
    %div3A_231 = arith.divf %get3A_221, %add3A_230 : vector<16xf32>
    %mul3A_232 = arith.mulf %min3A_227, %div3A_231 : vector<16xf32>
    %swap3A_233 = arith.constant 208 : index
    %swap3A_234 = tpu.vector_load %arg7[%swap3A_233] {strides = array<i32>} : memref<512xf32, #tpu.memory_space<vmem>>, vector<16xf32>,
    tpu.vector_store %arg7[%swap3A_233], %mul3A_232 {strides = array<i32>} : memref<512xf32, #tpu.memory_space<vmem>>, vector<16xf32>,
    %get3A_235 = arith.constant 224 : index
    %get3A_236 = tpu.vector_load %arg5[%get3A_235] {strides = array<i32>} : memref<512xf32, #tpu.memory_space<vmem>>, vector<16xf32>,
    %get3A_237 = arith.constant 224 : index
    %get3A_238 = tpu.vector_load %arg6[%get3A_237] {strides = array<i32>} : memref<512xf32, #tpu.memory_space<vmem>>, vector<16xf32>,
    %jit3A_239 = arith.constant 0.000000e+00 : f32
    %jit3A_240 = arith.constant 1.000000e+00 : f32
    %max3A_241 = vector.broadcast %jit3A_239 : f32 to vector<16xf32>
    %max3A_242 = arith.maximumf %max3A_241, %get3A_236 : vector<16xf32>
    %min3A_243 = vector.broadcast %jit3A_240 : f32 to vector<16xf32>
    %min3A_244 = arith.minimumf %min3A_243, %max3A_242 : vector<16xf32>
    %add3A_245 = arith.constant 9.99999993E-9 : f32
    %add3A_246 = vector.broadcast %add3A_245 : f32 to vector<16xf32>
    %add3A_247 = arith.addf %get3A_236, %add3A_246 : vector<16xf32>
    %div3A_248 = arith.divf %get3A_238, %add3A_247 : vector<16xf32>
    %mul3A_249 = arith.mulf %min3A_244, %div3A_248 : vector<16xf32>
    %swap3A_250 = arith.constant 224 : index
    %swap3A_251 = tpu.vector_load %arg7[%swap3A_250] {strides = array<i32>} : memref<512xf32, #tpu.memory_space<vmem>>, vector<16xf32>,
    tpu.vector_store %arg7[%swap3A_250], %mul3A_249 {strides = array<i32>} : memref<512xf32, #tpu.memory_space<vmem>>, vector<16xf32>,
    %get3A_252 = arith.constant 240 : index
    %get3A_253 = tpu.vector_load %arg5[%get3A_252] {strides = array<i32>} : memref<512xf32, #tpu.memory_space<vmem>>, vector<16xf32>,
    %get3A_254 = arith.constant 240 : index
    %get3A_255 = tpu.vector_load %arg6[%get3A_254] {strides = array<i32>} : memref<512xf32, #tpu.memory_space<vmem>>, vector<16xf32>,
    %jit3A_256 = arith.constant 0.000000e+00 : f32
    %jit3A_257 = arith.constant 1.000000e+00 : f32
    %max3A_258 = vector.broadcast %jit3A_256 : f32 to vector<16xf32>
    %max3A_259 = arith.maximumf %max3A_258, %get3A_253 : vector<16xf32>
    %min3A_260 = vector.broadcast %jit3A_257 : f32 to vector<16xf32>
    %min3A_261 = arith.minimumf %min3A_260, %max3A_259 : vector<16xf32>
    %add3A_262 = arith.constant 9.99999993E-9 : f32
    %add3A_263 = vector.broadcast %add3A_262 : f32 to vector<16xf32>
    %add3A_264 = arith.addf %get3A_253, %add3A_263 : vector<16xf32>
    %div3A_265 = arith.divf %get3A_255, %add3A_264 : vector<16xf32>
    %mul3A_266 = arith.mulf %min3A_261, %div3A_265 : vector<16xf32>
    %swap3A_267 = arith.constant 240 : index
    %swap3A_268 = tpu.vector_load %arg7[%swap3A_267] {strides = array<i32>} : memref<512xf32, #tpu.memory_space<vmem>>, vector<16xf32>,
    tpu.vector_store %arg7[%swap3A_267], %mul3A_266 {strides = array<i32>} : memref<512xf32, #tpu.memory_space<vmem>>, vector<16xf32>,
    %get3A_269 = arith.constant 256 : index
    %get3A_270 = tpu.vector_load %arg5[%get3A_269] {strides = array<i32>} : memref<512xf32, #tpu.memory_space<vmem>>, vector<16xf32>,
    %get3A_271 = arith.constant 256 : index
    %get3A_272 = tpu.vector_load %arg6[%get3A_271] {strides = array<i32>} : memref<512xf32, #tpu.memory_space<vmem>>, vector<16xf32>,
    %jit3A_273 = arith.constant 0.000000e+00 : f32
    %jit3A_274 = arith.constant 1.000000e+00 : f32
    %max3A_275 = vector.broadcast %jit3A_273 : f32 to vector<16xf32>
    %max3A_276 = arith.maximumf %max3A_275, %get3A_270 : vector<16xf32>
    %min3A_277 = vector.broadcast %jit3A_274 : f32 to vector<16xf32>
    %min3A_278 = arith.minimumf %min3A_277, %max3A_276 : vector<16xf32>
    %add3A_279 = arith.constant 9.99999993E-9 : f32
    %add3A_280 = vector.broadcast %add3A_279 : f32 to vector<16xf32>
    %add3A_281 = arith.addf %get3A_270, %add3A_280 : vector<16xf32>
    %div3A_282 = arith.divf %get3A_272, %add3A_281 : vector<16xf32>
    %mul3A_283 = arith.mulf %min3A_278, %div3A_282 : vector<16xf32>
    %swap3A_284 = arith.constant 256 : index
    %swap3A_285 = tpu.vector_load %arg7[%swap3A_284] {strides = array<i32>} : memref<512xf32, #tpu.memory_space<vmem>>, vector<16xf32>,
    tpu.vector_store %arg7[%swap3A_284], %mul3A_283 {strides = array<i32>} : memref<512xf32, #tpu.memory_space<vmem>>, vector<16xf32>,
    %get3A_286 = arith.constant 272 : index
    %get3A_287 = tpu.vector_load %arg5[%get3A_286] {strides = array<i32>} : memref<512xf32, #tpu.memory_space<vmem>>, vector<16xf32>,
    %get3A_288 = arith.constant 272 : index
    %get3A_289 = tpu.vector_load %arg6[%get3A_288] {strides = array<i32>} : memref<512xf32, #tpu.memory_space<vmem>>, vector<16xf32>,
    %jit3A_290 = arith.constant 0.000000e+00 : f32
    %jit3A_291 = arith.constant 1.000000e+00 : f32
    %max3A_292 = vector.broadcast %jit3A_290 : f32 to vector<16xf32>
    %max3A_293 = arith.maximumf %max3A_292, %get3A_287 : vector<16xf32>
    %min3A_294 = vector.broadcast %jit3A_291 : f32 to vector<16xf32>
    %min3A_295 = arith.minimumf %min3A_294, %max3A_293 : vector<16xf32>
    %add3A_296 = arith.constant 9.99999993E-9 : f32
    %add3A_297 = vector.broadcast %add3A_296 : f32 to vector<16xf32>
    %add3A_298 = arith.addf %get3A_287, %add3A_297 : vector<16xf32>
    %div3A_299 = arith.divf %get3A_289, %add3A_298 : vector<16xf32>
    %mul3A_300 = arith.mulf %min3A_295, %div3A_299 : vector<16xf32>
    %swap3A_301 = arith.constant 272 : index
    %swap3A_302 = tpu.vector_load %arg7[%swap3A_301] {strides = array<i32>} : memref<512xf32, #tpu.memory_space<vmem>>, vector<16xf32>,
    tpu.vector_store %arg7[%swap3A_301], %mul3A_300 {strides = array<i32>} : memref<512xf32, #tpu.memory_space<vmem>>, vector<16xf32>,
    %get3A_303 = arith.constant 288 : index
    %get3A_304 = tpu.vector_load %arg5[%get3A_303] {strides = array<i32>} : memref<512xf32, #tpu.memory_space<vmem>>, vector<16xf32>,
    %get3A_305 = arith.constant 288 : index
    %get3A_306 = tpu.vector_load %arg6[%get3A_305] {strides = array<i32>} : memref<512xf32, #tpu.memory_space<vmem>>, vector<16xf32>,
    %jit3A_307 = arith.constant 0.000000e+00 : f32
    %jit3A_308 = arith.constant 1.000000e+00 : f32
    %max3A_309 = vector.broadcast %jit3A_307 : f32 to vector<16xf32>
    %max3A_310 = arith.maximumf %max3A_309, %get3A_304 : vector<16xf32>
    %min3A_311 = vector.broadcast %jit3A_308 : f32 to vector<16xf32>
    %min3A_312 = arith.minimumf %min3A_311, %max3A_310 : vector<16xf32>
    %add3A_313 = arith.constant 9.99999993E-9 : f32
    %add3A_314 = vector.broadcast %add3A_313 : f32 to vector<16xf32>
    %add3A_315 = arith.addf %get3A_304, %add3A_314 : vector<16xf32>
    %div3A_316 = arith.divf %get3A_306, %add3A_315 : vector<16xf32>
    %mul3A_317 = arith.mulf %min3A_312, %div3A_316 : vector<16xf32>
    %swap3A_318 = arith.constant 288 : index
    %swap3A_319 = tpu.vector_load %arg7[%swap3A_318] {strides = array<i32>} : memref<512xf32, #tpu.memory_space<vmem>>, vector<16xf32>,
    tpu.vector_store %arg7[%swap3A_318], %mul3A_317 {strides = array<i32>} : memref<512xf32, #tpu.memory_space<vmem>>, vector<16xf32>,
    %get3A_320 = arith.constant 304 : index
    %get3A_321 = tpu.vector_load %arg5[%get3A_320] {strides = array<i32>} : memref<512xf32, #tpu.memory_space<vmem>>, vector<16xf32>,
    %get3A_322 = arith.constant 304 : index
    %get3A_323 = tpu.vector_load %arg6[%get3A_322] {strides = array<i32>} : memref<512xf32, #tpu.memory_space<vmem>>, vector<16xf32>,
    %jit3A_324 = arith.constant 0.000000e+00 : f32
    %jit3A_325 = arith.constant 1.000000e+00 : f32
    %max3A_326 = vector.broadcast %jit3A_324 : f32 to vector<16xf32>
    %max3A_327 = arith.maximumf %max3A_326, %get3A_321 : vector<16xf32>
    %min3A_328 = vector.broadcast %jit3A_325 : f32 to vector<16xf32>
    %min3A_329 = arith.minimumf %min3A_328, %max3A_327 : vector<16xf32>
    %add3A_330 = arith.constant 9.99999993E-9 : f32
    %add3A_331 = vector.broadcast %add3A_330 : f32 to vector<16xf32>
    %add3A_332 = arith.addf %get3A_321, %add3A_331 : vector<16xf32>
    %div3A_333 = arith.divf %get3A_323, %add3A_332 : vector<16xf32>
    %mul3A_334 = arith.mulf %min3A_329, %div3A_333 : vector<16xf32>
    %swap3A_335 = arith.constant 304 : index
    %swap3A_336 = tpu.vector_load %arg7[%swap3A_335] {strides = array<i32>} : memref<512xf32, #tpu.memory_space<vmem>>, vector<16xf32>,
    tpu.vector_store %arg7[%swap3A_335], %mul3A_334 {strides = array<i32>} : memref<512xf32, #tpu.memory_space<vmem>>, vector<16xf32>,
    %get3A_337 = arith.constant 320 : index
    %get3A_338 = tpu.vector_load %arg5[%get3A_337] {strides = array<i32>} : memref<512xf32, #tpu.memory_space<vmem>>, vector<16xf32>,
    %get3A_339 = arith.constant 320 : index
    %get3A_340 = tpu.vector_load %arg6[%get3A_339] {strides = array<i32>} : memref<512xf32, #tpu.memory_space<vmem>>, vector<16xf32>,
    %jit3A_341 = arith.constant 0.000000e+00 : f32
    %jit3A_342 = arith.constant 1.000000e+00 : f32
    %max3A_343 = vector.broadcast %jit3A_341 : f32 to vector<16xf32>
    %max3A_344 = arith.maximumf %max3A_343, %get3A_338 : vector<16xf32>
    %min3A_345 = vector.broadcast %jit3A_342 : f32 to vector<16xf32>
    %min3A_346 = arith.minimumf %min3A_345, %max3A_344 : vector<16xf32>
    %add3A_347 = arith.constant 9.99999993E-9 : f32
    %add3A_348 = vector.broadcast %add3A_347 : f32 to vector<16xf32>
    %add3A_349 = arith.addf %get3A_338, %add3A_348 : vector<16xf32>
    %div3A_350 = arith.divf %get3A_340, %add3A_349 : vector<16xf32>
    %mul3A_351 = arith.mulf %min3A_346, %div3A_350 : vector<16xf32>
    %swap3A_352 = arith.constant 320 : index
    %swap3A_353 = tpu.vector_load %arg7[%swap3A_352] {strides = array<i32>} : memref<512xf32, #tpu.memory_space<vmem>>, vector<16xf32>,
    tpu.vector_store %arg7[%swap3A_352], %mul3A_351 {strides = array<i32>} : memref<512xf32, #tpu.memory_space<vmem>>, vector<16xf32>,
    %get3A_354 = arith.constant 336 : index
    %get3A_355 = tpu.vector_load %arg5[%get3A_354] {strides = array<i32>} : memref<512xf32, #tpu.memory_space<vmem>>, vector<16xf32>,
    %get3A_356 = arith.constant 336 : index
    %get3A_357 = tpu.vector_load %arg6[%get3A_356] {strides = array<i32>} : memref<512xf32, #tpu.memory_space<vmem>>, vector<16xf32>,
    %jit3A_358 = arith.constant 0.000000e+00 : f32
    %jit3A_359 = arith.constant 1.000000e+00 : f32
    %max3A_360 = vector.broadcast %jit3A_358 : f32 to vector<16xf32>
    %max3A_361 = arith.maximumf %max3A_360, %get3A_355 : vector<16xf32>
    %min3A_362 = vector.broadcast %jit3A_359 : f32 to vector<16xf32>
    %min3A_363 = arith.minimumf %min3A_362, %max3A_361 : vector<16xf32>
    %add3A_364 = arith.constant 9.99999993E-9 : f32
    %add3A_365 = vector.broadcast %add3A_364 : f32 to vector<16xf32>
    %add3A_366 = arith.addf %get3A_355, %add3A_365 : vector<16xf32>
    %div3A_367 = arith.divf %get3A_357, %add3A_366 : vector<16xf32>
    %mul3A_368 = arith.mulf %min3A_363, %div3A_367 : vector<16xf32>
    %swap3A_369 = arith.constant 336 : index
    %swap3A_370 = tpu.vector_load %arg7[%swap3A_369] {strides = array<i32>} : memref<512xf32, #tpu.memory_space<vmem>>, vector<16xf32>,
    tpu.vector_store %arg7[%swap3A_369], %mul3A_368 {strides = array<i32>} : memref<512xf32, #tpu.memory_space<vmem>>, vector<16xf32>,
    %get3A_371 = arith.constant 352 : index
    %get3A_372 = tpu.vector_load %arg5[%get3A_371] {strides = array<i32>} : memref<512xf32, #tpu.memory_space<vmem>>, vector<16xf32>,
    %get3A_373 = arith.constant 352 : index
    %get3A_374 = tpu.vector_load %arg6[%get3A_373] {strides = array<i32>} : memref<512xf32, #tpu.memory_space<vmem>>, vector<16xf32>,
    %jit3A_375 = arith.constant 0.000000e+00 : f32
    %jit3A_376 = arith.constant 1.000000e+00 : f32
    %max3A_377 = vector.broadcast %jit3A_375 : f32 to vector<16xf32>
    %max3A_378 = arith.maximumf %max3A_377, %get3A_372 : vector<16xf32>
    %min3A_379 = vector.broadcast %jit3A_376 : f32 to vector<16xf32>
    %min3A_380 = arith.minimumf %min3A_379, %max3A_378 : vector<16xf32>
    %add3A_381 = arith.constant 9.99999993E-9 : f32
    %add3A_382 = vector.broadcast %add3A_381 : f32 to vector<16xf32>
    %add3A_383 = arith.addf %get3A_372, %add3A_382 : vector<16xf32>
    %div3A_384 = arith.divf %get3A_374, %add3A_383 : vector<16xf32>
    %mul3A_385 = arith.mulf %min3A_380, %div3A_384 : vector<16xf32>
    %swap3A_386 = arith.constant 352 : index
    %swap3A_387 = tpu.vector_load %arg7[%swap3A_386] {strides = array<i32>} : memref<512xf32, #tpu.memory_space<vmem>>, vector<16xf32>,
    tpu.vector_store %arg7[%swap3A_386], %mul3A_385 {strides = array<i32>} : memref<512xf32, #tpu.memory_space<vmem>>, vector<16xf32>,
    %get3A_388 = arith.constant 368 : index
    %get3A_389 = tpu.vector_load %arg5[%get3A_388] {strides = array<i32>} : memref<512xf32, #tpu.memory_space<vmem>>, vector<16xf32>,
    %get3A_390 = arith.constant 368 : index
    %get3A_391 = tpu.vector_load %arg6[%get3A_390] {strides = array<i32>} : memref<512xf32, #tpu.memory_space<vmem>>, vector<16xf32>,
    %jit3A_392 = arith.constant 0.000000e+00 : f32
    %jit3A_393 = arith.constant 1.000000e+00 : f32
    %max3A_394 = vector.broadcast %jit3A_392 : f32 to vector<16xf32>
    %max3A_395 = arith.maximumf %max3A_394, %get3A_389 : vector<16xf32>
    %min3A_396 = vector.broadcast %jit3A_393 : f32 to vector<16xf32>
    %min3A_397 = arith.minimumf %min3A_396, %max3A_395 : vector<16xf32>
    %add3A_398 = arith.constant 9.99999993E-9 : f32
    %add3A_399 = vector.broadcast %add3A_398 : f32 to vector<16xf32>
    %add3A_400 = arith.addf %get3A_389, %add3A_399 : vector<16xf32>
    %div3A_401 = arith.divf %get3A_391, %add3A_400 : vector<16xf32>
    %mul3A_402 = arith.mulf %min3A_397, %div3A_401 : vector<16xf32>
    %swap3A_403 = arith.constant 368 : index
    %swap3A_404 = tpu.vector_load %arg7[%swap3A_403] {strides = array<i32>} : memref<512xf32, #tpu.memory_space<vmem>>, vector<16xf32>,
    tpu.vector_store %arg7[%swap3A_403], %mul3A_402 {strides = array<i32>} : memref<512xf32, #tpu.memory_space<vmem>>, vector<16xf32>,
    %get3A_405 = arith.constant 384 : index
    %get3A_406 = tpu.vector_load %arg5[%get3A_405] {strides = array<i32>} : memref<512xf32, #tpu.memory_space<vmem>>, vector<16xf32>,
    %get3A_407 = arith.constant 384 : index
    %get3A_408 = tpu.vector_load %arg6[%get3A_407] {strides = array<i32>} : memref<512xf32, #tpu.memory_space<vmem>>, vector<16xf32>,
    %jit3A_409 = arith.constant 0.000000e+00 : f32
    %jit3A_410 = arith.constant 1.000000e+00 : f32
    %max3A_411 = vector.broadcast %jit3A_409 : f32 to vector<16xf32>
    %max3A_412 = arith.maximumf %max3A_411, %get3A_406 : vector<16xf32>
    %min3A_413 = vector.broadcast %jit3A_410 : f32 to vector<16xf32>
    %min3A_414 = arith.minimumf %min3A_413, %max3A_412 : vector<16xf32>
    %add3A_415 = arith.constant 9.99999993E-9 : f32
    %add3A_416 = vector.broadcast %add3A_415 : f32 to vector<16xf32>
    %add3A_417 = arith.addf %get3A_406, %add3A_416 : vector<16xf32>
    %div3A_418 = arith.divf %get3A_408, %add3A_417 : vector<16xf32>
    %mul3A_419 = arith.mulf %min3A_414, %div3A_418 : vector<16xf32>
    %swap3A_420 = arith.constant 384 : index
    %swap3A_421 = tpu.vector_load %arg7[%swap3A_420] {strides = array<i32>} : memref<512xf32, #tpu.memory_space<vmem>>, vector<16xf32>,
    tpu.vector_store %arg7[%swap3A_420], %mul3A_419 {strides = array<i32>} : memref<512xf32, #tpu.memory_space<vmem>>, vector<16xf32>,
    %get3A_422 = arith.constant 400 : index
    %get3A_423 = tpu.vector_load %arg5[%get3A_422] {strides = array<i32>} : memref<512xf32, #tpu.memory_space<vmem>>, vector<16xf32>,
    %get3A_424 = arith.constant 400 : index
    %get3A_425 = tpu.vector_load %arg6[%get3A_424] {strides = array<i32>} : memref<512xf32, #tpu.memory_space<vmem>>, vector<16xf32>,
    %jit3A_426 = arith.constant 0.000000e+00 : f32
    %jit3A_427 = arith.constant 1.000000e+00 : f32
    %max3A_428 = vector.broadcast %jit3A_426 : f32 to vector<16xf32>
    %max3A_429 = arith.maximumf %max3A_428, %get3A_423 : vector<16xf32>
    %min3A_430 = vector.broadcast %jit3A_427 : f32 to vector<16xf32>
    %min3A_431 = arith.minimumf %min3A_430, %max3A_429 : vector<16xf32>
    %add3A_432 = arith.constant 9.99999993E-9 : f32
    %add3A_433 = vector.broadcast %add3A_432 : f32 to vector<16xf32>
    %add3A_434 = arith.addf %get3A_423, %add3A_433 : vector<16xf32>
    %div3A_435 = arith.divf %get3A_425, %add3A_434 : vector<16xf32>
    %mul3A_436 = arith.mulf %min3A_431, %div3A_435 : vector<16xf32>
    %swap3A_437 = arith.constant 400 : index
    %swap3A_438 = tpu.vector_load %arg7[%swap3A_437] {strides = array<i32>} : memref<512xf32, #tpu.memory_space<vmem>>, vector<16xf32>,
    tpu.vector_store %arg7[%swap3A_437], %mul3A_436 {strides = array<i32>} : memref<512xf32, #tpu.memory_space<vmem>>, vector<16xf32>,
    %get3A_439 = arith.constant 416 : index
    %get3A_440 = tpu.vector_load %arg5[%get3A_439] {strides = array<i32>} : memref<512xf32, #tpu.memory_space<vmem>>, vector<16xf32>,
    %get3A_441 = arith.constant 416 : index
    %get3A_442 = tpu.vector_load %arg6[%get3A_441] {strides = array<i32>} : memref<512xf32, #tpu.memory_space<vmem>>, vector<16xf32>,
    %jit3A_443 = arith.constant 0.000000e+00 : f32
    %jit3A_444 = arith.constant 1.000000e+00 : f32
    %max3A_445 = vector.broadcast %jit3A_443 : f32 to vector<16xf32>
    %max3A_446 = arith.maximumf %max3A_445, %get3A_440 : vector<16xf32>
    %min3A_447 = vector.broadcast %jit3A_444 : f32 to vector<16xf32>
    %min3A_448 = arith.minimumf %min3A_447, %max3A_446 : vector<16xf32>
    %add3A_449 = arith.constant 9.99999993E-9 : f32
    %add3A_450 = vector.broadcast %add3A_449 : f32 to vector<16xf32>
    %add3A_451 = arith.addf %get3A_440, %add3A_450 : vector<16xf32>
    %div3A_452 = arith.divf %get3A_442, %add3A_451 : vector<16xf32>
    %mul3A_453 = arith.mulf %min3A_448, %div3A_452 : vector<16xf32>
    %swap3A_454 = arith.constant 416 : index
    %swap3A_455 = tpu.vector_load %arg7[%swap3A_454] {strides = array<i32>} : memref<512xf32, #tpu.memory_space<vmem>>, vector<16xf32>,
    tpu.vector_store %arg7[%swap3A_454], %mul3A_453 {strides = array<i32>} : memref<512xf32, #tpu.memory_space<vmem>>, vector<16xf32>,
    %get3A_456 = arith.constant 432 : index
    %get3A_457 = tpu.vector_load %arg5[%get3A_456] {strides = array<i32>} : memref<512xf32, #tpu.memory_space<vmem>>, vector<16xf32>,
    %get3A_458 = arith.constant 432 : index
    %get3A_459 = tpu.vector_load %arg6[%get3A_458] {strides = array<i32>} : memref<512xf32, #tpu.memory_space<vmem>>, vector<16xf32>,
    %jit3A_460 = arith.constant 0.000000e+00 : f32
    %jit3A_461 = arith.constant 1.000000e+00 : f32
    %max3A_462 = vector.broadcast %jit3A_460 : f32 to vector<16xf32>
    %max3A_463 = arith.maximumf %max3A_462, %get3A_457 : vector<16xf32>
    %min3A_464 = vector.broadcast %jit3A_461 : f32 to vector<16xf32>
    %min3A_465 = arith.minimumf %min3A_464, %max3A_463 : vector<16xf32>
    %add3A_466 = arith.constant 9.99999993E-9 : f32
    %add3A_467 = vector.broadcast %add3A_466 : f32 to vector<16xf32>
    %add3A_468 = arith.addf %get3A_457, %add3A_467 : vector<16xf32>
    %div3A_469 = arith.divf %get3A_459, %add3A_468 : vector<16xf32>
    %mul3A_470 = arith.mulf %min3A_465, %div3A_469 : vector<16xf32>
    %swap3A_471 = arith.constant 432 : index
    %swap3A_472 = tpu.vector_load %arg7[%swap3A_471] {strides = array<i32>} : memref<512xf32, #tpu.memory_space<vmem>>, vector<16xf32>,
    tpu.vector_store %arg7[%swap3A_471], %mul3A_470 {strides = array<i32>} : memref<512xf32, #tpu.memory_space<vmem>>, vector<16xf32>,
    %get3A_473 = arith.constant 448 : index
    %get3A_474 = tpu.vector_load %arg5[%get3A_473] {strides = array<i32>} : memref<512xf32, #tpu.memory_space<vmem>>, vector<16xf32>,
    %get3A_475 = arith.constant 448 : index
    %get3A_476 = tpu.vector_load %arg6[%get3A_475] {strides = array<i32>} : memref<512xf32, #tpu.memory_space<vmem>>, vector<16xf32>,
    %jit3A_477 = arith.constant 0.000000e+00 : f32
    %jit3A_478 = arith.constant 1.000000e+00 : f32
    %max3A_479 = vector.broadcast %jit3A_477 : f32 to vector<16xf32>
    %max3A_480 = arith.maximumf %max3A_479, %get3A_474 : vector<16xf32>
    %min3A_481 = vector.broadcast %jit3A_478 : f32 to vector<16xf32>
    %min3A_482 = arith.minimumf %min3A_481, %max3A_480 : vector<16xf32>
    %add3A_483 = arith.constant 9.99999993E-9 : f32
    %add3A_484 = vector.broadcast %add3A_483 : f32 to vector<16xf32>
    %add3A_485 = arith.addf %get3A_474, %add3A_484 : vector<16xf32>
    %div3A_486 = arith.divf %get3A_476, %add3A_485 : vector<16xf32>
    %mul3A_487 = arith.mulf %min3A_482, %div3A_486 : vector<16xf32>
    %swap3A_488 = arith.constant 448 : index
    %swap3A_489 = tpu.vector_load %arg7[%swap3A_488] {strides = array<i32>} : memref<512xf32, #tpu.memory_space<vmem>>, vector<16xf32>,
    tpu.vector_store %arg7[%swap3A_488], %mul3A_487 {strides = array<i32>} : memref<512xf32, #tpu.memory_space<vmem>>, vector<16xf32>,
    %get3A_490 = arith.constant 464 : index
    %get3A_491 = tpu.vector_load %arg5[%get3A_490] {strides = array<i32>} : memref<512xf32, #tpu.memory_space<vmem>>, vector<16xf32>,
    %get3A_492 = arith.constant 464 : index
    %get3A_493 = tpu.vector_load %arg6[%get3A_492] {strides = array<i32>} : memref<512xf32, #tpu.memory_space<vmem>>, vector<16xf32>,
    %jit3A_494 = arith.constant 0.000000e+00 : f32
    %jit3A_495 = arith.constant 1.000000e+00 : f32
    %max3A_496 = vector.broadcast %jit3A_494 : f32 to vector<16xf32>
    %max3A_497 = arith.maximumf %max3A_496, %get3A_491 : vector<16xf32>
    %min3A_498 = vector.broadcast %jit3A_495 : f32 to vector<16xf32>
    %min3A_499 = arith.minimumf %min3A_498, %max3A_497 : vector<16xf32>
    %add3A_500 = arith.constant 9.99999993E-9 : f32
    %add3A_501 = vector.broadcast %add3A_500 : f32 to vector<16xf32>
    %add3A_502 = arith.addf %get3A_491, %add3A_501 : vector<16xf32>
    %div3A_503 = arith.divf %get3A_493, %add3A_502 : vector<16xf32>
    %mul3A_504 = arith.mulf %min3A_499, %div3A_503 : vector<16xf32>
    %swap3A_505 = arith.constant 464 : index
    %swap3A_506 = tpu.vector_load %arg7[%swap3A_505] {strides = array<i32>} : memref<512xf32, #tpu.memory_space<vmem>>, vector<16xf32>,
    tpu.vector_store %arg7[%swap3A_505], %mul3A_504 {strides = array<i32>} : memref<512xf32, #tpu.memory_space<vmem>>, vector<16xf32>,
    %get3A_507 = arith.constant 480 : index
    %get3A_508 = tpu.vector_load %arg5[%get3A_507] {strides = array<i32>} : memref<512xf32, #tpu.memory_space<vmem>>, vector<16xf32>,
    %get3A_509 = arith.constant 480 : index
    %get3A_510 = tpu.vector_load %arg6[%get3A_509] {strides = array<i32>} : memref<512xf32, #tpu.memory_space<vmem>>, vector<16xf32>,
    %jit3A_511 = arith.constant 0.000000e+00 : f32
    %jit3A_512 = arith.constant 1.000000e+00 : f32
    %max3A_513 = vector.broadcast %jit3A_511 : f32 to vector<16xf32>
    %max3A_514 = arith.maximumf %max3A_513, %get3A_508 : vector<16xf32>
    %min3A_515 = vector.broadcast %jit3A_512 : f32 to vector<16xf32>
    %min3A_516 = arith.minimumf %min3A_515, %max3A_514 : vector<16xf32>
    %add3A_517 = arith.constant 9.99999993E-9 : f32
    %add3A_518 = vector.broadcast %add3A_517 : f32 to vector<16xf32>
    %add3A_519 = arith.addf %get3A_508, %add3A_518 : vector<16xf32>
    %div3A_520 = arith.divf %get3A_510, %add3A_519 : vector<16xf32>
    %mul3A_521 = arith.mulf %min3A_516, %div3A_520 : vector<16xf32>
    %swap3A_522 = arith.constant 480 : index
    %swap3A_523 = tpu.vector_load %arg7[%swap3A_522] {strides = array<i32>} : memref<512xf32, #tpu.memory_space<vmem>>, vector<16xf32>,
    tpu.vector_store %arg7[%swap3A_522], %mul3A_521 {strides = array<i32>} : memref<512xf32, #tpu.memory_space<vmem>>, vector<16xf32>,
    %get3A_524 = arith.constant 496 : index
    %get3A_525 = tpu.vector_load %arg5[%get3A_524] {strides = array<i32>} : memref<512xf32, #tpu.memory_space<vmem>>, vector<16xf32>,
    %get3A_526 = arith.constant 496 : index
    %get3A_527 = tpu.vector_load %arg6[%get3A_526] {strides = array<i32>} : memref<512xf32, #tpu.memory_space<vmem>>, vector<16xf32>,
    %jit3A_528 = arith.constant 0.000000e+00 : f32
    %jit3A_529 = arith.constant 1.000000e+00 : f32
    %max3A_530 = vector.broadcast %jit3A_528 : f32 to vector<16xf32>
    %max3A_531 = arith.maximumf %max3A_530, %get3A_525 : vector<16xf32>
    %min3A_532 = vector.broadcast %jit3A_529 : f32 to vector<16xf32>
    %min3A_533 = arith.minimumf %min3A_532, %max3A_531 : vector<16xf32>
    %add3A_534 = arith.constant 9.99999993E-9 : f32
    %add3A_535 = vector.broadcast %add3A_534 : f32 to vector<16xf32>
    %add3A_536 = arith.addf %get3A_525, %add3A_535 : vector<16xf32>
    %div3A_537 = arith.divf %get3A_527, %add3A_536 : vector<16xf32>
    %mul3A_538 = arith.mulf %min3A_533, %div3A_537 : vector<16xf32>
    %swap3A_539 = arith.constant 496 : index
    %swap3A_540 = tpu.vector_load %arg7[%swap3A_539] {strides = array<i32>} : memref<512xf32, #tpu.memory_space<vmem>>, vector<16xf32>,
    tpu.vector_store %arg7[%swap3A_539], %mul3A_538 {strides = array<i32>} : memref<512xf32, #tpu.memory_space<vmem>>, vector<16xf32>,
    "tpu.region"() ({
      %run_scoped3A = tpu.sem_alloc : memref<!tpu.dma_semaphore, #tpu.memory_space<semaphore_mem>>
      %dma_start3A = tpu.memref_slice %arg4[%mul3A_2] : memref<16384xf32, #tpu.memory_space<hbm>> -> memref<512xf32, #tpu.memory_space<hbm>>
      %dma_start3A_541 = tpu.memref_slice %arg4[%mul3A_2] : memref<16384xf32, #tpu.memory_space<hbm>> -> memref<512xf32, #tpu.memory_space<hbm>>
      tpu.enqueue_dma source(%arg7 : memref<512xf32, #tpu.memory_space<vmem>>) target(%dma_start3A_541 : memref<512xf32, #tpu.memory_space<hbm>>) target_semaphore(%run_scoped3A : memref<!tpu.dma_semaphore, #tpu.memory_space<semaphore_mem>>)
      %dma_wait3A = tpu.memref_slice %arg4[%mul3A_2] : memref<16384xf32, #tpu.memory_space<hbm>> -> memref<512xf32, #tpu.memory_space<hbm>>
      %dma_wait3A_542 = tpu.memref_slice %arg4[%mul3A_2] : memref<16384xf32, #tpu.memory_space<hbm>> -> memref<512xf32, #tpu.memory_space<hbm>>
      tpu.wait_dma2 semaphore(%run_scoped3A : memref<!tpu.dma_semaphore, #tpu.memory_space<semaphore_mem>>) src(%arg7 : memref<512xf32, #tpu.memory_space<vmem>>) dst(%dma_wait3A_542 : memref<512xf32, #tpu.memory_space<hbm>>)
      tpu.yield
    }) : () -> ()
    return
  }
}

module attributes {stable_mosaic.version = 14 : i64} {
  func.func @_rowmax_tgt_kernel(%arg0: i32, %arg1: memref<1000x2048xf32, #tpu.memory_space<vmem>>, %arg2: memref<2048xi32, #tpu.memory_space<vmem>>, %arg3: memref<2048xf32, #tpu.memory_space<vmem>>, %arg4: memref<2048xf32, #tpu.memory_space<vmem>>) attributes {dimension_semantics = [#tpu.dimension_semantics<arbitrary>], iteration_bounds = array<i64: 8>, scalar_prefetch = 0 : i64, scratch_operands = 0 : i64, tpu.core_type = #tpu.core_type<tc>, window_params = [{transform_indices = @transform_0, window_bounds = array<i64: 1000, 2048>}, {transform_indices = @transform_1, window_bounds = array<i64: 2048>}, {transform_indices = @transform_2, window_bounds = array<i64: 2048>}, {transform_indices = @transform_3, window_bounds = array<i64: 2048>}]} {
    %get3A = arith.constant 0 : index
    %get3A_0 = arith.constant 0 : index
    %get3A_1 = vector.load %arg1[%get3A, %get3A_0] : memref<1000x2048xf32, #tpu.memory_space<vmem>>, vector<1000x2048xf32>
    %get3A_2 = arith.constant 0 : index
    %get3A_3 = vector.load %arg2[%get3A_2] : memref<2048xi32, #tpu.memory_space<vmem>>, vector<2048xi32>
    %iota3A = tpu.iota {dimensions = array<i32: 0>} : vector<1000x2048xi32>
    %reduce_max3A = arith.constant dense<0xFF800000> : vector<2048xf32>
    %reduce_max3A_4 = vector.multi_reduction <maximumf>, %get3A_1, %reduce_max3A [0] : vector<1000x2048xf32> to vector<2048xf32>
    %swap3A = arith.constant 0 : index
    %swap3A_5 = vector.load %arg3[%swap3A] : memref<2048xf32, #tpu.memory_space<vmem>>, vector<2048xf32>
    tpu.vector_store %arg3[%swap3A], %reduce_max3A_4 {strides = array<i32>} : memref<2048xf32, #tpu.memory_space<vmem>>, vector<2048xf32>,
    %broadcast_in_dim3A = vector.shape_cast %get3A_3 : vector<2048xi32> to vector<1x2048xi32>
    %eq3A = vector.broadcast %broadcast_in_dim3A : vector<1x2048xi32> to vector<1000x2048xi32>
    %eq3A_6 = arith.cmpi eq, %iota3A, %eq3A : vector<1000x2048xi32>
    %jit3A = arith.constant 0xFF800000 : f32
    %broadcast_in_dim3A_7 = vector.broadcast %jit3A : f32 to vector<1000x2048xf32>
    %select_n3A = arith.select %eq3A_6, %get3A_1, %broadcast_in_dim3A_7 : vector<1000x2048xi1>, vector<1000x2048xf32>
    %reduce_max3A_8 = arith.constant dense<0xFF800000> : vector<2048xf32>
    %reduce_max3A_9 = vector.multi_reduction <maximumf>, %select_n3A, %reduce_max3A_8 [0] : vector<1000x2048xf32> to vector<2048xf32>
    %swap3A_10 = arith.constant 0 : index
    %swap3A_11 = vector.load %arg4[%swap3A_10] : memref<2048xf32, #tpu.memory_space<vmem>>, vector<2048xf32>
    tpu.vector_store %arg4[%swap3A_10], %reduce_max3A_9 {strides = array<i32>} : memref<2048xf32, #tpu.memory_space<vmem>>, vector<2048xf32>,
    return
  }
  func.func @transform_0(%arg0: i32) -> (i32, i32) {
    %c0_i32 = arith.constant 0 : i32
    %c0_i32_0 = arith.constant 0 : i32
    return %c0_i32, %arg0 : i32, i32
  }
  func.func @transform_1(%arg0: i32) -> i32 {
    %c0_i32 = arith.constant 0 : i32
    return %arg0 : i32
  }
  func.func @transform_2(%arg0: i32) -> i32 {
    %c0_i32 = arith.constant 0 : i32
    return %arg0 : i32
  }
  func.func @transform_3(%arg0: i32) -> i32 {
    %c0_i32 = arith.constant 0 : i32
    return %arg0 : i32
  }
}

</mosaic_0001>

<sc_bundles>
// kernel: kernel.4.cloned.1.call-start
scs
__scs_entry_jumppad:
0x0: {  	(pc) =	sbr.rel $0x88, $3  }
0x1: {  	(tag) =	ssettag $0x0;
	lr =	simm.s32 $0x1  }
0x2: {  	[smem:$0x3F9F] =	sst lr;
	_ =	strace $0xD0000000  }
0x3: {  	_ = 	snop  }
0x4: {  	_ = 	snop  }
0x5: {  	_ = 	snop  }
0x6: {  	_ = 	snop  }
0x7: {  	_ = 	snop  }
__scs_overlays_trampoline_lowered:
0x8: {  	[smem:$0x3FAE] =	sst s0  }
0x9: {  	[smem:$0x3FAF] =	sst s1  }
0xa: {  	[smem:$0x3FB0] =	sst s2  }
0xb: {  	[smem:$0x3FB1] =	sst s3  }
0xc: {  	[smem:$0x3FB2] =	sst s4  }
0xd: {  	[smem:$0x3FB3] =	sst s5  }
0xe: {  	[smem:$0x3FB4] =	sst s6  }
0xf: {  	[smem:$0x3FB5] =	sst s7  }
0x10: {  	[smem:$0x3FB6] =	sst s8  }
0x11: {  	[smem:$0x3FB7] =	sst s9;
	s0 =	simm.s32 @!p0 $0x0  }
0x12: {  	s1 =	sld [smem:$0x3F9D];
	s0 =	simm.s32 @p0 $0x1  }
0x13: {  	[smem:$0x3FB8] =	sst s0;
	s0 =	simm.s32 @!p1 $0x0  }
0x14: {  	s2 =	sld [smem:$0x3F9C];
	s0 =	simm.s32 @p1 $0x1  }
0x15: {  	[smem:$0x3FB9] =	sst s0;
	s0 =	simm.s32 @!p2 $0x0  }
0x16: {  	s3 =	sld [smem:$0x3FDB];
	s0 =	simm.s32 @p2 $0x1  }
0x17: {  	s4 =	simm.s32 $0x1BF5;
	[smem:$0x3FBB] =	sst s0  }
0x18: {  	s0 =	sld [smem:$0x3F9E];
	_ =	swait.ge [sflag:s4], $0x0  }
0x19: {  	s7 =	sld [smem:$0x3F9F]  }
0x1a: {  	s8 =	sadd.s32 $0xFFFFE003, lr  }
0x1b: {  	s9 =	sadd.s32 $0xFFFFFEF7, lr;
	s5 =	simm.s32 $0xFFFFFFFF;
	p2 =	slt.u32 s8, $0xFFFFF086  }
0x1c: {  	p1 =	slt.u32 s9, $0xF7A;
	s5 =	simm.s32 @!p2 $0x0  }
0x1d: {  	s5 =	simm.s32 @p1 $0x1;
	p0 =	seq.s32 s7, s2  }
0x1e: {  	s7 =	smul.u32 @!p0 $0xF7A, s2;
	p2 =	seq.s32 @!p0 s5, $0x0  }
0x1f: {  	s9 =	smul.u32 $0xF7A, s1;
	s8 =	simm.s32 @!p0 $0x1BF5;
	p2 =	por !p2, p0  }
0x20: {  	[sflag:s8] =	ssyncset.s32 @!p0 $0xFFFFF086;
	s6 =	sadd.s32 @!p0 s3, s7;
	s7 =	simm.s32 @!p0 $0x108  }
0x21: {  	s3 =	sadd.s32 s3, s9;
	s6 =	sadd.s32 @!p0 $0x88, s6;
	s7 =	simm.s32 @p2 $0x1082  }
0x22: {  	[simem:s7], [sflag:s8] =	dma.local @!p0 [hbm:s6], $0xF7A  }
0x23: {  	s9 =	sor.u32 $0xD0000000, s2;
	s6 =	simm.s32 $0x108;
	_ =	swait.ge @!p0 [sflag:s8], $0x0  }
0x24: {  	s3 =	sadd.s32 $0x88, s3;
	s6 =	simm.s32 @!p1 $0x1082;
	[sflag:s4] =	ssyncset.s32 $0xFFFFF086  }
0x25: {  	[simem:s6], [sflag:s4] =	dma.local [hbm:s3], $0xF7A  }
0x26: {  	[smem:$0x3F9F] =	sst s1;
	(tag) =	ssettag s2;
	_ =	strace s9  }
0x27: {  	s1 =	sld [smem:$0x3FAF]  }
0x28: {  	s2 =	sld [smem:$0x3FB0]  }
0x29: {  	s4 =	sld [smem:$0x3FB2]  }
0x2a: {  	p0 =	seq.s32 s5, $0x0;
	s5 =	sld [smem:$0x3FB3]  }
0x2b: {  	s6 =	sld [smem:$0x3FB4]  }
0x2c: {  	s7 =	sld [smem:$0x3FB5]  }
0x2d: {  	s3 =	simm.s32 $0x108;
	s8 =	sld [smem:$0x3FB6]  }
0x2e: {  	s3 =	simm.s32 @!p0 $0x1082;
	s9 =	sld [smem:$0x3FB7]  }
0x2f: {  	lr =	sadd.s32 s0, s3;
	s0 =	sld [smem:$0x3FAE]  }
0x30: {  	s3 =	sld [smem:$0x3FB1]  }
0x31: {  	[smem:$0x3FBA] =	sst s10  }
0x32: {  	s10 =	sld [smem:$0x3FB8];
	_ =	sdelay $0x3  }
0x33: {  	p0 =	seq.s32 s10, $0x1;
	s10 =	sld [smem:$0x3FBA];
	_ =	sdelay $0x3  }
0x34: {  	[smem:$0x3FBA] =	sst s10  }
0x35: {  	s10 =	sld [smem:$0x3FB9];
	_ =	sdelay $0x3  }
0x36: {  	p1 =	seq.s32 s10, $0x1;
	s10 =	sld [smem:$0x3FBA];
	_ =	sdelay $0x3  }
0x37: {  	[smem:$0x3FBA] =	sst s10  }
0x38: {  	s10 =	sld [smem:$0x3FBB]  }
0x39: {  	_ = 	snop;
	(pc) =	sbr.ind lr, $3  }
0x3a: {  	_ = 	snop  }
0x3b: {  	_ = 	snop  }
0x3c: {  	p2 =	seq.s32 s10, $0x1;
	s10 =	sld [smem:$0x3FBA]  }
0x3d: {  	_ =	shalt  }
0x3e: {  	_ =	shalt  }
0x3f: {  	_ =	shalt  }
0x40: {  	_ =	shalt  }
0x41: {  	_ =	shalt  }
0x42: {  	_ =	shalt  }
0x43: {  	_ =	shalt  }
0x44: {  	_ =	shalt  }
0x45: {  	_ =	shalt  }
0x46: {  	_ =	shalt  }
0x47: {  	_ =	shalt  }
0x48: {  	_ =	shalt  }
0x49: {  	_ =	shalt  }
0x4a: {  	_ =	shalt  }
0x4b: {  	_ =	shalt  }
0x4c: {  	_ =	shalt  }
0x4d: {  	_ =	shalt  }
0x4e: {  	_ =	shalt  }
0x4f: {  	_ =	shalt  }
0x50: {  	_ =	shalt  }
0x51: {  	_ =	shalt  }
0x52: {  	_ =	shalt  }
0x53: {  	_ =	shalt  }
0x54: {  	_ =	shalt  }
0x55: {  	_ =	shalt  }
0x56: {  	_ =	shalt  }
0x57: {  	_ =	shalt  }
0x58: {  	_ =	shalt  }
0x59: {  	_ =	shalt  }
0x5a: {  	_ =	shalt  }
0x5b: {  	_ =	shalt  }
0x5c: {  	_ =	shalt  }
0x5d: {  	_ =	shalt  }
0x5e: {  	_ =	shalt  }
0x5f: {  	_ =	shalt  }
0x60: {  	_ =	shalt  }
0x61: {  	_ =	shalt  }
0x62: {  	_ =	shalt  }
0x63: {  	_ =	shalt  }
0x64: {  	_ =	shalt  }
0x65: {  	_ =	shalt  }
0x66: {  	_ =	shalt  }
0x67: {  	_ =	shalt  }
0x68: {  	_ =	shalt  }
0x69: {  	_ =	shalt  }
0x6a: {  	_ =	shalt  }
0x6b: {  	_ =	shalt  }
0x6c: {  	_ =	shalt  }
0x6d: {  	_ =	shalt  }
0x6e: {  	_ =	shalt  }
0x6f: {  	_ =	shalt  }
0x70: {  	_ =	shalt  }
0x71: {  	_ =	shalt  }
0x72: {  	_ =	shalt  }
0x73: {  	_ =	shalt  }
0x74: {  	_ =	shalt  }
0x75: {  	_ =	shalt  }
0x76: {  	_ =	shalt  }
0x77: {  	_ =	shalt  }
0x78: {  	_ =	shalt  }
0x79: {  	_ =	shalt  }
0x7a: {  	_ =	shalt  }
0x7b: {  	_ =	shalt  }
0x7c: {  	_ =	shalt  }
0x7d: {  	_ =	shalt  }
0x7e: {  	_ =	shalt  }
0x7f: {  	_ =	shalt  }
0x80: {  	_ =	shalt  }
0x81: {  	_ =	shalt  }
0x82: {  	_ =	shalt  }
0x83: {  	_ =	shalt  }
0x84: {  	_ =	shalt  }
0x85: {  	_ =	shalt  }
0x86: {  	_ =	shalt  }
0x87: {  	_ =	shalt  }
.Lfunc_end0:
.L_simem_size_0:
called_computation_lowered:
.L_overlay_start_0:
0x88: {  	s2 =	sld [smem:$0x3FD9]  }
0x89: {  	s3 =	sld [smem:$0x3FFE];
	_ =	sdelay $0x1  }
0x8a: {  	s1 =	srdreg.scid  }
0x8b: {  	s0 =	sand.u32 $0x1, s1  }
0x8c: {  	s17 =	sshll.u32 s0, $0xA;
	s2 =	sadd.s32 s3, s2  }
0x8d: {  	s2 =	sadd.s32 s2, s17  }
0x8e: {  	[smem:$0x3FC6] =	sst s2  }
0x8f: {  	_ = 	snop  }
0x90: {  	s2 =	sld [smem:$0x3FD0];
	(tm) =	ssettm $0x1  }
0x91: {  	s18 =	sld [smem:$0x3FFB];
	_ =	sdelay $0x3  }
0x92: {  	_ =	strace s18  }
0x93: {  	s3 =	sld [smem:$0x3FFC];
	_ =	sdelay $0x3  }
0x94: {  	_ =	strace s3  }
0x95: {  	s3 =	sld [smem:$0x3FFD];
	_ =	sdelay $0x3  }
0x96: {  	_ =	strace s3  }
0x97: {  	_ =	strace $0x8FFFFFFF  }
0x98: {  	s19 =	sld [smem:$0x3FDB];
	_ =	sdelay $0x1  }
0x99: {  	s4 =	simm.s32 $_scs_section_size  }
0x9a: {  	s5 =	simm.s32 $_size__tile_overlayer_lowered;
	s6 =	simm.s32 $_tile_overlayer_lowered  }
0x9b: {  	s22 =	simm.s32 $0x1BFF;
	s21 =	sshll.u32 s6, $0x1;
	s3 =	sadd.s32 s4, s19  }
0x9c: {  	s7 =	simm.s32 $0x0;
	s20 =	sshll.u32 s5, $0x1;
	s5 =	sadd.s32 s21, s3  }
0x9d: {  	[timem:s7], [sflag:s22] =	dma.local [hbm:s5], s20  }
0x9e: {  	_ =	swait.ge [sflag:s22], s20  }
0x9f: {  	s4 =	ssub.s32 $0x0, s20;
	[sflag:s22] =	ssyncset.done $0x0  }
0xa0: {  	[sflag:s22] =	ssyncadd.s32 s4;
	_ =	sdelay $0x1  }
0xa1: {  	s23 =	simm.s32 $0x1B8B  }
0xa2: {  	_ =	swait.ge [sflag:s23], $0x1  }
0xa3: {  	[sflag:s23] =	ssyncset.done $0x0  }
0xa4: {  	s25 =	simm.s32 $0x1B8E;
	s24 =	sld [smem:$0x3FFE];
	[sflag:s23] =	ssyncadd.s32 $0xFFFFFFFF  }
0xa5: {  	s26 =	simm.s32 $execute0_lowered;
	[smem:$0x3FD2] =	sst s25  }
0xa6: {  	s5 =	sshll.u32 s26, $0x1;
	_ =	strace $0x80000046;
	[dreg:$0x1] =	wrdreg $0xFFFFFFFF  }
0xa7: {  	s28 =	simm.s32 $_size_execute0_lowered;
	s3 =	sadd.s32 s3, s5;
	[dreg:$0x0] =	wrdreg $0x0  }
0xa8: {  	s5 =	sshll.u32 s28, $0x1;
	[dreg:$0x2] =	wrdreg s3  }
0xa9: {  	[dreg:$0x3] =	wrdreg s5  }
0xaa: {  	[dreg:$0x4] =	wrdreg $0xC0  }
0xab: {  	_ =	task [dreg:s7], $0x5FFFF  }
0xac: {  	[dreg:$0x1] =	wrdreg $0xFFFFFFFF  }
0xad: {  	[dreg:$0x0] =	wrdreg $0x60  }
0xae: {  	[dreg:$0x2] =	wrdreg s24  }
0xaf: {  	[dreg:$0x3] =	wrdreg s2  }
0xb0: {  	[dreg:$0x4] =	wrdreg $0x9  }
0xb1: {  	_ =	task.clear_ibuf [dreg:s7], $0x5FFFF;
	_ =	strace $0x90000046  }
0xb2: {  	s29 =	simm.s32 $0x9;
	_ =	strace $0x80000048  }
0xb3: {  	_ =	swait.ge [sflag:s29], $0x1  }
0xb4: {  	[sflag:s29] =	ssyncadd.s32 $0xFFFFFFFF  }
0xb5: {  	_ =	strace $0x90000048  }
0xb6: {  	_ =	sfence  }
0xb7: {  	s30 =	sld [smem:$0x0];
	_ =	sdelay $0x2  }
0xb8: {  	s31 =	sshll.u32 s1, $0xD;
	s1 =	sshrl.u32 s1, $0x2  }
0xb9: {  	s3 =	sand.u32 $0x4000, s31;
	s1 =	sadd.s32 s1, s30  }
0xba: {  	s0 =	sor.u32 s3, s0;
	s1 =	sshll.u32 s1, $0x11  }
0xbb: {  	s0 =	sor.u32 s1, s0  }
0xbc: {  	s0 =	sadd.s32 $0x8F2B, s0  }
0xbd: {  	[sflag:s0] =	ssyncadd.remote.s32 $0x1  }
0xbe: {  	_ =	sfence.sel $0xFFFF  }
0xbf: {  	[dreg:$0x0] =	wrdreg $0xFFFFFFFF;
	(pc) =	sbr.abs _section_cstart, $3  }
0xc0: {  	[dreg:$0x1] =	wrdreg $0xFFFFFFFF  }
0xc1: {  	_ =	task.clear_ibuf [dreg:s7], $0x2FFFF;
	_ =	strace $0x9FFFFFFF  }
0xc2: {  	(tm) =	ssettm $0x7FFFFFFF  }
0xc3: {  	_ =	shalt  }
tec
execute0_lowered:
.L_overlay_start_1:
0x0: {  	(tag) =	ssettag $0x1  }
0x1: {  	s3 =	rddreg [dreg:$0x0];
	s0 =	srdreg.scid  }
0x2: {  	s5 =	rddreg [dreg:$0x1];
	s1 =	stileid.u32;
	s2 =	simm.s32 $0x0  }
0x3: {  	s9 =	simm.s32 $0x400;
	s4 =	sand.u32 $0x1, s0;
	s0 =	rddreg [dreg:$0x2]  }
0x4: {  	s6 =	sshll.u32 s1, $0x7;
	s7 =	sshll.u32 s4, $0x6;
	s4 =	ssub.s32 $0x2, s4  }
0x5: {  	[smem:$0x7FF] =	sst s2;
	s6 =	sor.u32 s7, s6;
	s31 =	sshrl.u32 s4, $0x1  }
0x6: {  	_ =	strace $0x80000047;
	s7 =	sadd.s32 s6, s3;
	s8 =	ssub.s32 s4, s31  }
0x7: {  	s5 =	sadd.s32 s5, s6;
	s3 =	sadd.s32 $0xC00, s7;
	s4 =	sadd.s32 $0x1400, s7  }
0x8: {  	s6 =	smax.u32 s8, $0x1;
	s7 =	simm.s32 $0x1;
	s8 =	simm.s32 $0x200  }
.LBB2_1:
0x9: {  	[tilespmem:s2], [sflag:$0x1] =	stream.linear.gather [hbm4b:s3+s2], $0x200, $0x38;
	[tilespmem:$0x600] =	vst v63  }
0xa: {  	_ =	swait.ge [sflag:s7], $0x200  }
0xb: {  	[sflag:s7] =	ssyncset.done $0x0  }
0xc: {  	[sflag:s7] =	ssyncadd.s32 $0xFFFFFE00  }
0xd: {  	[tilespmem:s8], [sflag:$0x1] =	stream.linear.gather [hbm4b:s4+s2], $0x200, $0x38;
	[tilespmem:$0x600] =	vst v63  }
0xe: {  	_ =	swait.ge [sflag:s7], $0x200  }
0xf: {  	[sflag:s7] =	ssyncset.done $0x0  }
0x10: {  	[sflag:s7] =	ssyncadd.s32 $0xFFFFFE00  }
0x11: {  	v0 =	vld [tilespmem:$0x0]  }
0x12: {  	v1 =	vld [tilespmem:$0x10]  }
0x13: {  	v2 =	vld [tilespmem:$0x20]  }
0x14: {  	v4 =	vld [tilespmem:$0x30]  }
0x15: {  	v36 =	vld [tilespmem:$0x40]  }
0x16: {  	v6 =	vld [tilespmem:$0x50]  }
0x17: {  	v38 =	vld [tilespmem:$0x60]  }
0x18: {  	v10 =	vld [tilespmem:$0x70]  }
0x19: {  	v41 =	vld [tilespmem:$0x80]  }
0x1a: {  	v45 =	vld [tilespmem:$0x90]  }
0x1b: {  	v47 =	vld [tilespmem:$0xA0];
	v3 =	vadd.f32 $9.999999930e-09, v0  }
0x1c: {  	v52 =	vld [tilespmem:$0xB0];
	v5 =	vadd.f32 $9.999999930e-09, v1  }
0x1d: {  	v20 =	vld [tilespmem:$0xC0];
	v37 =	vadd.f32 $9.999999930e-09, v2;
	(erf) = vrcp.f32 v3  }
0x1e: {  	v56 =	vld [tilespmem:$0xD0];
	v8 =	vadd.f32 $9.999999930e-09, v4;
	(erf) = vrcp.f32 v5  }
0x1f: {  	v21 =	vld [tilespmem:$0xE0];
	v39 =	vadd.f32 $9.999999930e-09, v36;
	v12 =	vadd.f32 $9.999999930e-09, v6;
	(erf) = vrcp.f32 v37  }
0x20: {  	v63 =	vld [tilespmem:$0xF0];
	v0 =	vmax.f32 v0, $0.0e+00;
	v15 =	vadd.f32 $9.999999930e-09, v38;
	v16 =	vmax.f32 v1, $0.0e+00  }
0x21: {  	v34 =	vld [tilespmem:$0x110];
	v17 =	vadd.f32 $9.999999930e-09, v10;
	v2 =	vmax.f32 v2, $0.0e+00;
	v50 =	vadd.f32 $9.999999930e-09, v41  }
0x22: {  	v4 =	vmax.f32 v4, $0.0e+00;
	v18 =	vadd.f32 $9.999999930e-09, v45;
	v19 =	vadd.f32 $9.999999930e-09, v47  }
0x23: {  	v6 =	vmax.f32 v6, $0.0e+00;
	v60 =	vadd.f32 $9.999999930e-09, v52;
	v10 =	vmax.f32 v10, $0.0e+00  }
0x24: {  	v62 =	vadd.f32 $9.999999930e-09, v20;
	v22 =	vadd.f32 $9.999999930e-09, v56;
	(erf) = vrcp.f32 v8  }
0x25: {  	v23 =	vadd.f32 $9.999999930e-09, v21;
	v25 =	vadd.f32 $9.999999930e-09, v63;
	(erf) = vrcp.f32 v39  }
0x26: {  	v7 =	vld [tilespmem:$0x200];
	v26 =	vadd.f32 $9.999999930e-09, v34;
	v20 =	vmax.f32 v20, $0.0e+00;
	(erf) = vrcp.f32 v12;
	v40 =	vpop (erf)  }
0x27: {  	v9 =	vld [tilespmem:$0x210];
	v21 =	vmax.f32 v21, $0.0e+00;
	v0 =	vmin.f32 v0, $1.000000000e+00;
	v42 =	vpop (erf);
	(erf) = vrcp.f32 v15  }
0x28: {  	v33 =	vld [tilespmem:$0x100];
	v44 =	vmin.f32 v16, $1.000000000e+00;
	v2 =	vmin.f32 v2, $1.000000000e+00;
	v46 =	vpop (erf);
	(erf) = vrcp.f32 v17  }
0x29: {  	v4 =	vmin.f32 v4, $1.000000000e+00;
	v6 =	vmin.f32 v6, $1.000000000e+00;
	v30 =	vmin.f32 v10, $1.000000000e+00;
	v39 =	vld [tilespmem:$0x120]  }
0x2a: {  	v11 =	vld [tilespmem:$0x220];
	v3 =	vmax.f32 v36, $0.0e+00;
	v5 =	vmax.f32 v38, $0.0e+00;
	(erf) = vrcp.f32 v50  }
0x2b: {  	v13 =	vld [tilespmem:$0x230];
	v21 =	vmin.f32 v21, $1.000000000e+00;
	v3 =	vmin.f32 v3, $1.000000000e+00;
	v5 =	vmin.f32 v5, $1.000000000e+00  }
0x2c: {  	v14 =	vld [tilespmem:$0x240];
	v12 =	vmax.f32 v41, $0.0e+00;
	v7 =	vmul.f32 v40, v7;
	v8 =	vmul.f32 v42, v9  }
0x2d: {  	v43 =	vld [tilespmem:$0x250];
	v37 =	vmax.f32 v47, $0.0e+00;
	v41 =	vadd.f32 $9.999999930e-09, v33;
	v12 =	vmin.f32 v12, $1.000000000e+00;
	v48 =	vpop (erf)  }
0x2e: {  	v49 =	vld [tilespmem:$0x260];
	v28 =	vadd.f32 $9.999999930e-09, v39;
	v1 =	vmul.f32 v7, v0;
	v0 =	vmul.f32 v8, v44;
	v53 =	vpop (erf)  }
0x2f: {  	v51 =	vld [tilespmem:$0x270];
	v42 =	vmin.f32 v37, $1.000000000e+00;
	v8 =	vmul.f32 v46, v11;
	(erf) = vrcp.f32 v18;
	v55 =	vpop (erf)  }
0x30: {  	v54 =	vld [tilespmem:$0x280];
	v7 =	vmax.f32 v45, $0.0e+00;
	v11 =	vmul.f32 v48, v13;
	(erf) = vrcp.f32 v19;
	v58 =	vpop (erf)  }
0x31: {  	v57 =	vld [tilespmem:$0x290];
	v7 =	vmin.f32 v7, $1.000000000e+00;
	v2 =	vmul.f32 v8, v2;
	v61 =	vpop (erf);
	(erf) = vrcp.f32 v60  }
0x32: {  	v45 =	vld [tilespmem:$0x130];
	v48 =	vmin.f32 v20, $1.000000000e+00;
	v4 =	vmul.f32 v11, v4;
	(erf) = vrcp.f32 v62  }
0x33: {  	v59 =	vld [tilespmem:$0x2A0];
	v19 =	vmax.f32 v63, $0.0e+00;
	v9 =	vmul.f32 v55, v43;
	v32 =	vpop (erf);
	(erf) = vrcp.f32 v22  }
0x34: {  	v31 =	vld [tilespmem:$0x2B0];
	v11 =	vmul.f32 v53, v14;
	v8 =	vmax.f32 v52, $0.0e+00;
	v14 =	vmax.f32 v56, $0.0e+00  }
0x35: {  	v35 =	vld [tilespmem:$0x2C0];
	v19 =	vmin.f32 v19, $1.000000000e+00;
	v6 =	vmul.f32 v9, v6;
	v9 =	vmul.f32 v58, v49  }
0x36: {  	v24 =	vld [tilespmem:$0x2D0];
	v8 =	vmin.f32 v8, $1.000000000e+00;
	v13 =	vmul.f32 v61, v51;
	(erf) = vrcp.f32 v23  }
0x37: {  	v46 =	vld [tilespmem:$0x140];
	v14 =	vmin.f32 v14, $1.000000000e+00;
	v3 =	vmul.f32 v11, v3;
	v53 =	vadd.f32 $9.999999930e-09, v45  }
0x38: {  	v16 =	vld [tilespmem:$0x1C0];
	v58 =	vmax.f32 v33, $0.0e+00;
	v5 =	vmul.f32 v9, v5;
	v36 =	vpop (erf);
	v9 =	vmul.f32 v13, v30  }
0x39: {  	v40 =	vld [tilespmem:$0x2E0];
	v62 =	vmax.f32 v34, $0.0e+00;
	v13 =	vmul.f32 v32, v54;
	v38 =	vpop (erf);
	(erf) = vrcp.f32 v25  }
0x3a: {  	v37 =	vld [tilespmem:$0x1A0];
	v33 =	vmin.f32 v58, $1.000000000e+00;
	v11 =	vmul.f32 v36, v57;
	(erf) = vrcp.f32 v41;
	v44 =	vpop (erf)  }
0x3b: {  	[tilespmem:$0x410] =	vst v0;
	v0 =	vmin.f32 v62, $1.000000000e+00;
	v15 =	vmul.f32 v38, v59;
	(erf) = vrcp.f32 v26;
	v26 =	vld [tilespmem:$0x190];
	v47 =	vpop (erf)  }
0x3c: {  	v43 =	vld [tilespmem:$0x2F0];
	v30 =	vadd.f32 $9.999999930e-09, v46;
	v12 =	vmul.f32 v13, v12;
	v7 =	vmul.f32 v11, v7;
	v50 =	vpop (erf)  }
0x3d: {  	v38 =	vmax.f32 v39, $0.0e+00;
	v11 =	vmul.f32 v15, v42;
	v22 =	vmul.f32 v50, v24;
	v24 =	vld [tilespmem:$0x150]  }
0x3e: {  	[tilespmem:$0x440] =	vst v3;
	v32 =	vld [tilespmem:$0x180];
	v3 =	vmin.f32 v38, $1.000000000e+00;
	v10 =	vmul.f32 v44, v31;
	(erf) = vrcp.f32 v28  }
0x3f: {  	v44 =	vmax.f32 v46, $0.0e+00;
	v49 =	vmul.f32 v47, v35;
	v28 =	vld [tilespmem:$0x160];
	v54 =	vpop (erf);
	(erf) = vrcp.f32 v53  }
0x40: {  	v46 =	vadd.f32 $9.999999930e-09, v26;
	v8 =	vmul.f32 v10, v8;
	v14 =	vmul.f32 v22, v14;
	v22 =	vld [tilespmem:$0x170]  }
0x41: {  	v25 =	vld [tilespmem:$0x1D0];
	v50 =	vmin.f32 v44, $1.000000000e+00;
	v10 =	vmul.f32 v49, v48;
	v18 =	vmul.f32 v54, v40  }
0x42: {  	v27 =	vld [tilespmem:$0x300];
	[tilespmem:$0x400] =	vst v1;
	v55 =	vpop (erf);
	(erf) = vrcp.f32 v30;
	v40 =	vmax.f32 v45, $0.0e+00;
	v31 =	vadd.f32 $9.999999930e-09, v24  }
0x43: {  	[tilespmem:$0x420] =	vst v2;
	v51 =	vld [tilespmem:$0x310];
	v49 =	vadd.f32 $9.999999930e-09, v37;
	v54 =	vadd.f32 $9.999999930e-09, v16;
	v37 =	vmax.f32 v37, $0.0e+00;
	v56 =	vpop (erf)  }
0x44: {  	[tilespmem:$0x4A0] =	vst v11;
	v11 =	vld [tilespmem:$0x1F0];
	v13 =	vmul.f32 v55, v43;
	v60 =	vpop (erf);
	v34 =	vadd.f32 $9.999999930e-09, v28;
	(erf) = vrcp.f32 v31  }
0x45: {  	v52 =	vld [tilespmem:$0x320];
	[tilespmem:$0x430] =	vst v4;
	v41 =	vmin.f32 v40, $1.000000000e+00;
	v43 =	vadd.f32 $9.999999930e-09, v32;
	v36 =	vadd.f32 $9.999999930e-09, v22  }
0x46: {  	[tilespmem:$0x450] =	vst v6;
	v55 =	vadd.f32 $9.999999930e-09, v25;
	v1 =	vmul.f32 v13, v19;
	v13 =	vld [tilespmem:$0x1B0];
	(erf) = vrcp.f32 v34  }
0x47: {  	v29 =	vld [tilespmem:$0x330];
	[tilespmem:$0x460] =	vst v5;
	v32 =	vmax.f32 v32, $0.0e+00;
	v18 =	vmul.f32 v18, v21;
	v35 =	vpop (erf);
	(erf) = vrcp.f32 v36  }
0x48: {  	v61 =	vld [tilespmem:$0x350];
	[tilespmem:$0x470] =	vst v9;
	v40 =	vmin.f32 v37, $1.000000000e+00;
	v59 =	vmul.f32 v56, v27;
	v42 =	vpop (erf);
	(erf) = vrcp.f32 v43  }
0x49: {  	[tilespmem:$0x490] =	vst v7;
	v7 =	vld [tilespmem:$0x1E0];
	v21 =	vadd.f32 $9.999999930e-09, v11;
	v63 =	vmul.f32 v60, v51;
	v58 =	vmax.f32 v28, $0.0e+00  }
0x4a: {  	v57 =	vld [tilespmem:$0x340];
	[tilespmem:$0x480] =	vst v12;
	v2 =	vmul.f32 v59, v33;
	v53 =	vmax.f32 v24, $0.0e+00;
	v23 =	vmin.f32 v58, $1.000000000e+00  }
0x4b: {  	[tilespmem:$0x4B0] =	vst v8;
	v4 =	vmul.f32 v35, v52;
	v52 =	vadd.f32 $9.999999930e-09, v13;
	v45 =	vpop (erf);
	(erf) = vrcp.f32 v46  }
0x4c: {  	[tilespmem:$0x4C0] =	vst v10;
	v0 =	vmul.f32 v63, v0;
	v8 =	vmin.f32 v53, $1.000000000e+00;
	(erf) = vrcp.f32 v49  }
0x4d: {  	v39 =	vld [tilespmem:$0x360];
	[tilespmem:$0x4D0] =	vst v14;
	v24 =	vmax.f32 v22, $0.0e+00;
	v5 =	vmul.f32 v42, v29;
	v51 =	vpop (erf);
	(erf) = vrcp.f32 v52  }
0x4e: {  	v48 =	vld [tilespmem:$0x370];
	[tilespmem:$0x4E0] =	vst v18;
	v9 =	vmul.f32 v51, v61;
	(erf) = vrcp.f32 v54;
	v61 =	vadd.f32 $9.999999930e-09, v7  }
0x4f: {  	[tilespmem:$0x4F0] =	vst v1;
	v28 =	vmin.f32 v24, $1.000000000e+00;
	v47 =	vmul.f32 v45, v57;
	v57 =	vld [tilespmem:$0x380];
	v56 =	vpop (erf);
	(erf) = vrcp.f32 v55  }
0x50: {  	v60 =	vld [tilespmem:$0x390];
	[tilespmem:$0x500] =	vst v2;
	v35 =	vmax.f32 v26, $0.0e+00;
	v3 =	vmul.f32 v4, v3;
	v59 =	vpop (erf);
	(erf) = vrcp.f32 v61  }
0x51: {  	v20 =	vld [tilespmem:$0x3A0];
	[tilespmem:$0x510] =	vst v0;
	v44 =	vmax.f32 v13, $0.0e+00;
	v4 =	vmul.f32 v5, v41;
	v29 =	vpop (erf);
	(erf) = vrcp.f32 v21  }
0x52: {  	v30 =	vld [tilespmem:$0x3B0];
	v5 =	vmul.f32 v47, v50;
	[tilespmem:$0x520] =	vst v3;
	v3 =	vmin.f32 v32, $1.000000000e+00;
	v62 =	vmul.f32 v56, v39  }
0x53: {  	v33 =	vld [tilespmem:$0x3C0];
	v50 =	vmax.f32 v25, $0.0e+00;
	[tilespmem:$0x530] =	vst v4;
	v8 =	vmul.f32 v9, v8;
	v63 =	vmul.f32 v59, v48  }
0x54: {  	v36 =	vld [tilespmem:$0x3D0];
	v4 =	vmin.f32 v35, $1.000000000e+00;
	[tilespmem:$0x540] =	vst v5;
	v27 =	vmul.f32 v62, v23;
	v31 =	vpop (erf);
	v2 =	vmul.f32 v29, v57  }
0x55: {  	v41 =	vld [tilespmem:$0x3E0];
	v54 =	vmin.f32 v50, $1.000000000e+00;
	v1 =	vmul.f32 v63, v28;
	v34 =	vpop (erf);
	v12 =	vmul.f32 v31, v60;
	[tilespmem:$0x550] =	vst v8  }
0x56: {  	v45 =	vld [tilespmem:$0x3F0];
	v56 =	vmax.f32 v7, $0.0e+00;
	v10 =	vmul.f32 v34, v20;
	v2 =	vmul.f32 v2, v3;
	[tilespmem:$0x560] =	vst v27;
	v38 =	vpop (erf)  }
0x57: {  	v48 =	vmax.f32 v16, $0.0e+00;
	v39 =	vmul.f32 v12, v4;
	[tilespmem:$0x570] =	vst v1;
	v42 =	vpop (erf);
	v6 =	vmul.f32 v38, v30  }
0x58: {  	v4 =	vmin.f32 v44, $1.000000000e+00;
	v43 =	vmul.f32 v10, v40;
	[tilespmem:$0x580] =	vst v2;
	v46 =	vpop (erf);
	v47 =	vmul.f32 v42, v33  }
0x59: {  	v49 =	vmin.f32 v48, $1.000000000e+00;
	[tilespmem:$0x590] =	vst v39;
	v51 =	vmul.f32 v46, v36;
	v52 =	vpop (erf);
	v53 =	vmul.f32 v6, v4  }
0x5a: {  	v60 =	vmax.f32 v11, $0.0e+00;
	[tilespmem:$0x5A0] =	vst v43;
	v1 =	vmul.f32 v47, v49;
	v57 =	vmul.f32 v52, v41;
	v58 =	vpop (erf)  }
0x5b: {  	v2 =	vmin.f32 v56, $1.000000000e+00;
	v55 =	vmul.f32 v51, v54;
	[tilespmem:$0x5B0] =	vst v53;
	v59 =	vmul.f32 v58, v45  }
0x5c: {  	v62 =	vmin.f32 v60, $1.000000000e+00;
	[tilespmem:$0x5C0] =	vst v1;
	v61 =	vmul.f32 v57, v2  }
0x5d: {  	[tilespmem:$0x5D0] =	vst v55;
	v63 =	vmul.f32 v59, v62  }
0x5e: {  	p0 =	sne.s32 s6, $0x1;
	[tilespmem:$0x5E0] =	vst v61  }
.Ltmp0:
0x5f: {  	[tilespmem:$0x5F0] =	vst v63;
	(pc) =	sbr.rel @p0 .LBB2_1-.Ltmp0, $4  }
0x60: {  	[hbm4b:s5+s2] =	stream.linear.scatter [tilespmem:s9], [sflag:$0x1], $0x200, $0x38;
	[tilespmem:$0x600] =	vst v63  }
0x61: {  	_ =	swait.ge [sflag:s7], $0x200  }
0x62: {  	[sflag:s7] =	ssyncset.done $0x0  }
0x63: {  	s6 =	sadd.s32 $0xFFFFFFFF, s6;
	[sflag:s7] =	ssyncadd.s32 $0xFFFFFE00  }
0x64: {  	_ =	sfence.sel $0x180000  }
0x65: {  	[bflag:$0x0] =	sbarrier.arrive $0xFFFF  }
0x66: {  	p0 =	sne.s32 s1, $0x0;
	_ =	strace $0x90000047  }
0x67: {  	s0 =	sadd.s32 @!p0 $0x100000, s0;
	[bflag:$0x2] =	sbarrier.arrive $0xFFFF  }
0x68: {  	[sflag:s0] =	ssyncadd.tile.s32 @!p0 $0x1;
	_ =	shalt  }
.Lfunc_end2:
_tile_overlayer_lowered:
.L_overlay_start_2:
0x69: {  	(tag) =	ssettag $0x2  }
0x6a: {  	s0 =	rddreg [dreg:$0x0];
	s2 =	stileid.u32  }
0x6b: {  	s1 =	rddreg [dreg:$0x1];
	p0 =	sne.s32 s2, $0x0  }
0x6c: {  	s3 =	rddreg [dreg:$0x2];
	[bflag:$0x3] =	sbarrier.arrive $0xFFFF;
	s2 =	simm.s32 @!p0 $0x1C01  }
0x6d: {  	[timem:s3], [sflag:s2] =	dma.local @!p0 [hbm:s0], s1  }
0x6e: {  	s0 =	simm.s32 @!p0 $0x1  }
0x6f: {  	_ =	swait.ge @!p0 [sflag:s0], s1  }
0x70: {  	s1 =	ssub.s32 @!p0 $0x0, s1;
	[sflag:s0] =	ssyncset.done @!p0 $0x0  }
0x71: {  	[sflag:s0] =	ssyncadd.s32 @!p0 s1  }
0x72: {  	[bflag:$0x3] =	sbarrier.arrive $0xFFFF  }
0x73: {  	_ =	shalt  }

</sc_bundles>
